<compile_context>
chip_gen: v7x
topology: tpu7x:2x2x1
jax: 0.10.2.dev20260603
libtpu: 0.0.44.dev20260713+nightly
codegen_flags: <defaults>
</compile_context>

<pallas_src>
import functools

import jax
import jax.numpy as jnp
from jax import lax
from jax.experimental import pallas as pl
from jax.experimental.pallas import tpu as pltpu
from jax.experimental.pallas import tpu_sc as plsc

B = 4096
F = 26
V = 100000
D = 64
PAIRS = F * (F - 1) // 2
FD = F * D
OUTW = FD + 2 * PAIRS
BF = B * F

NC = 2
NS = 16
NW = NC * NS
ROWS_PER_W = BF // NW
GCH = 128
NG = ROWS_PER_W // GCH

BB = 256


def _sc_gather(idx3, tbl):

    @functools.partial(
        pl.kernel,
        mesh=plsc.VectorSubcoreMesh(core_axis_name="c", subcore_axis_name="s"),
        out_type=jax.ShapeDtypeStruct((BF, D), jnp.float32),
        scratch_types=[
            pltpu.VMEM((NG, GCH), jnp.int32),
            pltpu.VMEM((GCH, D), jnp.float32),
            pltpu.SemaphoreType.DMA,
        ],
        compiler_params=pltpu.CompilerParams(use_tc_tiling_on_sc=False),
    )
    def k(idx_hbm, tbl_hbm, out_hbm, idx_v, buf, sem):
        wid = lax.axis_index("s") * NC + lax.axis_index("c")
        pltpu.sync_copy(idx_hbm.at[wid], idx_v)
        base = wid * ROWS_PER_W

        def body(j, carry):
            pltpu.async_copy(tbl_hbm.at[idx_v.at[j]], buf, sem).wait()
            pltpu.sync_copy(buf, out_hbm.at[pl.ds(base + j * GCH, GCH)])
            return carry

        lax.fori_loop(0, NG, body, 0)

    return k(idx3, tbl)


def _tc_body(e_ref, w_ref, s_ref, out_ref):
    E = e_ref[...]
    out_ref[:, 0:FD] = E
    inner_parts, outer_parts = [], []
    ps = 0
    dnums = (((1,), (0,)), ((), ()))
    for i in range(F - 1):
        n = F - 1 - i
        p = E[:, i * D:(i + 1) * D]
        q = E[:, (i + 1) * D:FD]
        w = w_ref[:, ps * D:(ps + n) * D]
        t = lax.dot_general(p, w, dnums, preferred_element_type=jnp.float32)
        s = s_ref[0:n * D, 0:n]
        pt = jnp.concatenate([p] * n, axis=1)
        inner_parts.append(
            lax.dot_general(pt * q, s, dnums, preferred_element_type=jnp.float32))
        outer_parts.append(
            lax.dot_general(t * q, s, dnums, preferred_element_type=jnp.float32))
        ps += n
    out_ref[:, FD:FD + PAIRS] = jnp.concatenate(inner_parts, axis=1)
    out_ref[:, FD + PAIRS:OUTW] = jnp.concatenate(outer_parts, axis=1)


def _tc_interact(E, Wbig, S):
    return pl.pallas_call(
        _tc_body,
        grid=(B // BB,),
        in_specs=[
            pl.BlockSpec((BB, FD), lambda b: (b, 0)),
            pl.BlockSpec((D, PAIRS * D), lambda b: (0, 0)),
            pl.BlockSpec(((F - 1) * D, F - 1), lambda b: (0, 0)),
        ],
        out_specs=pl.BlockSpec((BB, OUTW), lambda b: (b, 0)),
        out_shape=jax.ShapeDtypeStruct((B, OUTW), jnp.float32),
    )(E, Wbig, S)


def kernel(X, tables, kern):
    idx = (X.astype(jnp.int32)
           + (jnp.arange(F, dtype=jnp.int32) * V)[None, :]).reshape(NW, NG, GCH)
    tbl = tables.reshape(F * V, D)
    emb = _sc_gather(idx, tbl)
    E = emb.reshape(B, FD)
    Wbig = kern.transpose(2, 1, 0).reshape(D, PAIRS * D)
    S = (jnp.arange((F - 1) * D, dtype=jnp.int32)[:, None] // D
         == jnp.arange(F - 1, dtype=jnp.int32)[None, :]).astype(jnp.float32)
    return _tc_interact(E, Wbig, S)

# --- scband reference (transcript-rebuilt; emitter-appended) ---
"""Pipeline reference for scband-pnnflatten-30949534335408 (READ-ONLY COPY).

The authoritative reference and input builder live on the scoring server;
editing this copy changes nothing except your own understanding.
"""

import jax, jax.numpy as jnp
import numpy as np

B = 4096
F = 26
V = 100000
D = 64
PAIRS = F * (F - 1) // 2  # 325


def setup_inputs(seed: int = 0) -> dict:
    key = jax.random.key(seed)
    k1, k2, k3 = jax.random.split(key, 3)
    X = jax.random.randint(k1, (B, F), 0, V, dtype=jnp.int64) if jax.config.jax_enable_x64 else jax.random.randint(k1, (B, F), 0, V, dtype=jnp.int32)
    tables = jax.random.normal(k2, (F, V, D), dtype=jnp.float32) * 0.01
    kernel = jax.random.normal(k3, (D, PAIRS, D), dtype=jnp.float32) * 0.05
    return {"X": X, "tables": tables, "kernel": kernel}


def reference(X, tables, kernel):
    # --- input_from_feature_columns: per-field embedding lookup ---
    # tables[f] is the embedding table for sparse field f; X[:, f] are indices.
    emb_list = [jnp.take(tables[f], X[:, f], axis=0) for f in range(F)]  # each [B, D]
    emb = jnp.stack(emb_list, axis=1)  # [B, F, D]

    # linear_signal = flatten(concat(sparse_embedding_list))
    linear_signal = emb.reshape(B, F * D)  # [B, F*D]

    # pair indices (i < j), matching itertools-style row/col enumeration
    rows, cols = np.triu_indices(F, k=1)
    p = emb[:, rows, :]  # [B, PAIRS, D]
    q = emb[:, cols, :]  # [B, PAIRS, D]

    # InnerProductLayer: elementwise product summed over embedding dim, then flatten
    inner_product = jnp.sum(p * q, axis=-1)  # [B, PAIRS]

    # OutterProductLayer, kernel_type='mat': kernel [D, PAIRS, D]
    # kp = sum(p.unsqueeze(1) * kernel, dim=-1) -> [B, D, PAIRS]; permute -> [B, PAIRS, D]; sum(kp*q, -1)
    kp = jnp.sum(p[:, None, :, :] * kernel[None, :, :, :], axis=-1)  # [B, D, PAIRS]
    kp = jnp.transpose(kp, (0, 2, 1))  # [B, PAIRS, D]
    outer_product = jnp.sum(kp * q, axis=-1)  # [B, PAIRS]

    # product_layer = cat([linear_signal, inner, outer]); no dense features -> dnn_input == product_layer
    dnn_input = jnp.concatenate([linear_signal, inner_product, outer_product], axis=1)
    return dnn_input

if __name__ == "__main__":
    import jax
    _d = setup_inputs()
    print(jax.jit(kernel)(*tuple(_d.values())))

</pallas_src>

<mosaic_0001>
#map = affine_map<(d0, d1) -> (0, 0, 0)>
#map1 = affine_map<(d0, d1) -> (0, 0)>
module attributes {stable_mosaic.version = 14 : i64} {
  func.func @k(%arg0: i32, %arg1: i32, %arg2: memref<32x26x128xi32, #tpu.memory_space<hbm>>, %arg3: memref<2600000x64xf32, #tpu.memory_space<hbm>>, %arg4: memref<106496x64xf32, #tpu.memory_space<hbm>>, %arg5: memref<26x128xi32, #tpu.memory_space<vmem>>, %arg6: memref<128x64xf32, #tpu.memory_space<vmem>>, %arg7: memref<!tpu.dma_semaphore, #tpu.memory_space<semaphore_mem>>) attributes {dimension_semantics = [#tpu.dimension_semantics<core_parallel>, #tpu.dimension_semantics<subcore_parallel>], iteration_bounds = array<i64: 2, 16>, scalar_prefetch = 0 : i64, scratch_operands = 3 : i64, tpu.core_type = #tpu.core_type<sc_vector_subcore>, window_params = [{transform_indices = #map}, {transform_indices = #map1}, {transform_indices = #map1}]} {
    %mul3A = arith.constant 2 : i32
    %mul3A_0 = arith.muli %arg1, %mul3A : i32
    %add3A = arith.addi %mul3A_0, %arg0 : i32
    "tpu.region"() ({
      %run_scoped3A = tpu.sem_alloc : memref<!tpu.dma_semaphore, #tpu.memory_space<semaphore_mem>>
      %dma_start3A = arith.constant 0 : i32
      %dma_start3A_8 = arith.constant 0 : i32
      %dma_start3A_9 = tpu.memref_slice %arg2[%add3A, %dma_start3A, %dma_start3A_8] : memref<32x26x128xi32, #tpu.memory_space<hbm>> -> memref<1x26x128xi32, #tpu.memory_space<hbm>>
      %dma_start3A_10 = tpu.memref_squeeze %dma_start3A_9 : memref<1x26x128xi32, #tpu.memory_space<hbm>> -> memref<26x128xi32, #tpu.memory_space<hbm>>
      %dma_start3A_11 = arith.constant 0 : i32
      %dma_start3A_12 = arith.constant 0 : i32
      %dma_start3A_13 = tpu.memref_slice %arg2[%add3A, %dma_start3A_11, %dma_start3A_12] : memref<32x26x128xi32, #tpu.memory_space<hbm>> -> memref<1x26x128xi32, #tpu.memory_space<hbm>>
      %dma_start3A_14 = tpu.memref_squeeze %dma_start3A_13 : memref<1x26x128xi32, #tpu.memory_space<hbm>> -> memref<26x128xi32, #tpu.memory_space<hbm>>
      tpu.enqueue_dma source(%dma_start3A_14 : memref<26x128xi32, #tpu.memory_space<hbm>>) target(%arg5 : memref<26x128xi32, #tpu.memory_space<vmem>>) target_semaphore(%run_scoped3A : memref<!tpu.dma_semaphore, #tpu.memory_space<semaphore_mem>>)
      %dma_wait3A = arith.constant 0 : i32
      %dma_wait3A_15 = arith.constant 0 : i32
      %dma_wait3A_16 = tpu.memref_slice %arg2[%add3A, %dma_wait3A, %dma_wait3A_15] : memref<32x26x128xi32, #tpu.memory_space<hbm>> -> memref<1x26x128xi32, #tpu.memory_space<hbm>>
      %dma_wait3A_17 = tpu.memref_squeeze %dma_wait3A_16 : memref<1x26x128xi32, #tpu.memory_space<hbm>> -> memref<26x128xi32, #tpu.memory_space<hbm>>
      %dma_wait3A_18 = arith.constant 0 : i32
      %dma_wait3A_19 = arith.constant 0 : i32
      %dma_wait3A_20 = tpu.memref_slice %arg2[%add3A, %dma_wait3A_18, %dma_wait3A_19] : memref<32x26x128xi32, #tpu.memory_space<hbm>> -> memref<1x26x128xi32, #tpu.memory_space<hbm>>
      %dma_wait3A_21 = tpu.memref_squeeze %dma_wait3A_20 : memref<1x26x128xi32, #tpu.memory_space<hbm>> -> memref<26x128xi32, #tpu.memory_space<hbm>>
      tpu.wait_dma2 semaphore(%run_scoped3A : memref<!tpu.dma_semaphore, #tpu.memory_space<semaphore_mem>>) src(%dma_wait3A_21 : memref<26x128xi32, #tpu.memory_space<hbm>>) dst(%arg5 : memref<26x128xi32, #tpu.memory_space<vmem>>)
      tpu.yield
    }) : () -> ()
    %mul3A_1 = arith.constant 3328 : i32
    %mul3A_2 = arith.muli %add3A, %mul3A_1 : i32
    %scan3A = arith.constant 0 : i32
    %scan3A_3 = arith.constant 0 : i32
    %scan3A_4 = arith.constant 26 : i32
    %scan3A_5 = arith.addi %scan3A_3, %scan3A_4 : i32
    %scan3A_6 = arith.constant 1 : i32
    scf.for %scan3A_8 = %scan3A_3 to %scan3A_5 step %scan3A_6  : i32 {
      %dma_start3A = arith.constant 0 : i32
      %dma_start3A_9 = tpu.memref_slice %arg5[%scan3A_8, %dma_start3A] : memref<26x128xi32, #tpu.memory_space<vmem>> -> memref<1x128xi32, #tpu.memory_space<vmem>>
      %dma_start3A_10 = tpu.memref_squeeze %dma_start3A_9 : memref<1x128xi32, #tpu.memory_space<vmem>> -> memref<128xi32, #tpu.memory_space<vmem>>
      %dma_start3A_11 = arith.constant 0 : i32
      %dma_start3A_12 = arith.constant 0 : i32
      %dma_start3A_13 = tpu.memref_slice %arg3[%dma_start3A_11, %dma_start3A_12] : memref<2600000x64xf32, #tpu.memory_space<hbm>> -> memref<2600000x64xf32, #tpu.memory_space<hbm>>
      tpu.enqueue_indirect_dma source(%dma_start3A_13 : memref<2600000x64xf32, #tpu.memory_space<hbm>>) target(%arg6 : memref<128x64xf32, #tpu.memory_space<vmem>>) offsets(%dma_start3A_10 : memref<128xi32, #tpu.memory_space<vmem>>) semaphore(%arg7 : memref<!tpu.dma_semaphore, #tpu.memory_space<semaphore_mem>>)
      %dma_wait3A = arith.constant 0 : i32
      %dma_wait3A_14 = tpu.memref_slice %arg5[%scan3A_8, %dma_wait3A] : memref<26x128xi32, #tpu.memory_space<vmem>> -> memref<1x128xi32, #tpu.memory_space<vmem>>
      %dma_wait3A_15 = tpu.memref_squeeze %dma_wait3A_14 : memref<1x128xi32, #tpu.memory_space<vmem>> -> memref<128xi32, #tpu.memory_space<vmem>>
      %dma_wait3A_16 = arith.constant 0 : i32
      %dma_wait3A_17 = arith.constant 0 : i32
      %dma_wait3A_18 = tpu.memref_slice %arg3[%dma_wait3A_16, %dma_wait3A_17] : memref<2600000x64xf32, #tpu.memory_space<hbm>> -> memref<2600000x64xf32, #tpu.memory_space<hbm>>
      tpu.wait_indirect_dma semaphore(%arg7 : memref<!tpu.dma_semaphore, #tpu.memory_space<semaphore_mem>>) src(%dma_wait3A_18 : memref<2600000x64xf32, #tpu.memory_space<hbm>>) dst(%arg6 : memref<128x64xf32, #tpu.memory_space<vmem>>)
      %mul3A_19 = arith.constant 128 : i32
      %mul3A_20 = arith.muli %scan3A_8, %mul3A_19 : i32
      %add3A_21 = arith.addi %mul3A_2, %mul3A_20 : i32
      "tpu.region"() ({
        %run_scoped3A = tpu.sem_alloc : memref<!tpu.dma_semaphore, #tpu.memory_space<semaphore_mem>>
        %dma_start3A_22 = arith.constant 0 : i32
        %dma_start3A_23 = tpu.memref_slice %arg4[%add3A_21, %dma_start3A_22] : memref<106496x64xf32, #tpu.memory_space<hbm>> -> memref<128x64xf32, #tpu.memory_space<hbm>>
        %dma_start3A_24 = arith.constant 0 : i32
        %dma_start3A_25 = tpu.memref_slice %arg4[%add3A_21, %dma_start3A_24] : memref<106496x64xf32, #tpu.memory_space<hbm>> -> memref<128x64xf32, #tpu.memory_space<hbm>>
        tpu.enqueue_dma source(%arg6 : memref<128x64xf32, #tpu.memory_space<vmem>>) target(%dma_start3A_25 : memref<128x64xf32, #tpu.memory_space<hbm>>) target_semaphore(%run_scoped3A : memref<!tpu.dma_semaphore, #tpu.memory_space<semaphore_mem>>)
        %dma_wait3A_26 = arith.constant 0 : i32
        %dma_wait3A_27 = tpu.memref_slice %arg4[%add3A_21, %dma_wait3A_26] : memref<106496x64xf32, #tpu.memory_space<hbm>> -> memref<128x64xf32, #tpu.memory_space<hbm>>
        %dma_wait3A_28 = arith.constant 0 : i32
        %dma_wait3A_29 = tpu.memref_slice %arg4[%add3A_21, %dma_wait3A_28] : memref<106496x64xf32, #tpu.memory_space<hbm>> -> memref<128x64xf32, #tpu.memory_space<hbm>>
        tpu.wait_dma2 semaphore(%run_scoped3A : memref<!tpu.dma_semaphore, #tpu.memory_space<semaphore_mem>>) src(%arg6 : memref<128x64xf32, #tpu.memory_space<vmem>>) dst(%dma_wait3A_29 : memref<128x64xf32, #tpu.memory_space<hbm>>)
        tpu.yield
      }) : () -> ()
    }
    %scan3A_7 = arith.constant 26 : i32
    return
  }
}

module attributes {stable_mosaic.version = 14 : i64} {
  func.func @_tc_body(%arg0: i32, %arg1: memref<256x1664xf32, #tpu.memory_space<vmem>>, %arg2: memref<64x20800xf32, #tpu.memory_space<vmem>>, %arg3: memref<1600x25xf32, #tpu.memory_space<vmem>>, %arg4: memref<256x2314xf32, #tpu.memory_space<vmem>>) attributes {dimension_semantics = [#tpu.dimension_semantics<arbitrary>], iteration_bounds = array<i64: 16>, scalar_prefetch = 0 : i64, scratch_operands = 0 : i64, tpu.core_type = #tpu.core_type<tc>, window_params = [{transform_indices = @transform_0, window_bounds = array<i64: 256, 1664>}, {pipeline_mode = #tpu.pipeline_mode<synchronous>, transform_indices = @transform_1, window_bounds = array<i64: 64, 20800>}, {pipeline_mode = #tpu.pipeline_mode<synchronous>, transform_indices = @transform_2, window_bounds = array<i64: 1600, 25>}, {transform_indices = @transform_3, window_bounds = array<i64: 256, 2314>}]} {
    %get3A = arith.constant 0 : index
    %get3A_0 = arith.constant 0 : index
    %get3A_1 = vector.load %arg1[%get3A, %get3A_0] : memref<256x1664xf32, #tpu.memory_space<vmem>>, vector<256x1664xf32>
    %swap3A = arith.constant 0 : index
    %swap3A_2 = arith.constant 0 : index
    %swap3A_3 = vector.load %arg4[%swap3A, %swap3A_2] : memref<256x2314xf32, #tpu.memory_space<vmem>>, vector<256x1664xf32>
    tpu.vector_store %arg4[%swap3A, %swap3A_2], %get3A_1 {strides = array<i32>} : memref<256x2314xf32, #tpu.memory_space<vmem>>, vector<256x1664xf32>,
    %slice3A = vector.extract_strided_slice %get3A_1 {offsets = [0, 0], sizes = [256, 64], strides = [1, 1]} : vector<256x1664xf32> to vector<256x64xf32>
    %slice3A_4 = vector.extract_strided_slice %get3A_1 {offsets = [0, 64], sizes = [256, 1600], strides = [1, 1]} : vector<256x1664xf32> to vector<256x1600xf32>
    %get3A_5 = arith.constant 0 : index
    %get3A_6 = arith.constant 0 : index
    %get3A_7 = vector.load %arg2[%get3A_5, %get3A_6] : memref<64x20800xf32, #tpu.memory_space<vmem>>, vector<64x1600xf32>
    %dot_general3A = arith.constant dense<0.000000e+00> : vector<256x1600xf32>
    %dot_general3A_8 = tpu.matmul %slice3A, %get3A_7, %dot_general3A {dimension_numbers = #tpu.dot_dimension_numbers<[1], [0], [0], [1], [0, 0, 1, 1], [], []>, transpose_lhs_hint = false} : vector<256x64xf32>, vector<64x1600xf32>, vector<256x1600xf32> -> vector<256x1600xf32>
    %get3A_9 = arith.constant 0 : index
    %get3A_10 = arith.constant 0 : index
    %get3A_11 = vector.load %arg3[%get3A_9, %get3A_10] : memref<1600x25xf32, #tpu.memory_space<vmem>>, vector<1600x25xf32>
    %concatenate3A = tpu.concatenate %slice3A, %slice3A, %slice3A, %slice3A, %slice3A, %slice3A, %slice3A, %slice3A, %slice3A, %slice3A, %slice3A, %slice3A, %slice3A, %slice3A, %slice3A, %slice3A, %slice3A, %slice3A, %slice3A, %slice3A, %slice3A, %slice3A, %slice3A, %slice3A, %slice3A in 1 : vector<256x64xf32>, vector<256x64xf32>, vector<256x64xf32>, vector<256x64xf32>, vector<256x64xf32>, vector<256x64xf32>, vector<256x64xf32>, vector<256x64xf32>, vector<256x64xf32>, vector<256x64xf32>, vector<256x64xf32>, vector<256x64xf32>, vector<256x64xf32>, vector<256x64xf32>, vector<256x64xf32>, vector<256x64xf32>, vector<256x64xf32>, vector<256x64xf32>, vector<256x64xf32>, vector<256x64xf32>, vector<256x64xf32>, vector<256x64xf32>, vector<256x64xf32>, vector<256x64xf32>, vector<256x64xf32> -> vector<256x1600xf32>
    %mul3A = arith.mulf %concatenate3A, %slice3A_4 : vector<256x1600xf32>
    %dot_general3A_12 = arith.constant dense<0.000000e+00> : vector<256x25xf32>
    %dot_general3A_13 = tpu.matmul %mul3A, %get3A_11, %dot_general3A_12 {dimension_numbers = #tpu.dot_dimension_numbers<[1], [0], [0], [1], [0, 0, 1, 1], [], []>, transpose_lhs_hint = false} : vector<256x1600xf32>, vector<1600x25xf32>, vector<256x25xf32> -> vector<256x25xf32>
    %mul3A_14 = arith.mulf %dot_general3A_8, %slice3A_4 : vector<256x1600xf32>
    %dot_general3A_15 = arith.constant dense<0.000000e+00> : vector<256x25xf32>
    %dot_general3A_16 = tpu.matmul %mul3A_14, %get3A_11, %dot_general3A_15 {dimension_numbers = #tpu.dot_dimension_numbers<[1], [0], [0], [1], [0, 0, 1, 1], [], []>, transpose_lhs_hint = false} : vector<256x1600xf32>, vector<1600x25xf32>, vector<256x25xf32> -> vector<256x25xf32>
    %slice3A_17 = vector.extract_strided_slice %get3A_1 {offsets = [0, 64], sizes = [256, 64], strides = [1, 1]} : vector<256x1664xf32> to vector<256x64xf32>
    %slice3A_18 = vector.extract_strided_slice %get3A_1 {offsets = [0, 128], sizes = [256, 1536], strides = [1, 1]} : vector<256x1664xf32> to vector<256x1536xf32>
    %get3A_19 = arith.constant 0 : index
    %get3A_20 = arith.constant 1600 : index
    %get3A_21 = vector.load %arg2[%get3A_19, %get3A_20] : memref<64x20800xf32, #tpu.memory_space<vmem>>, vector<64x1536xf32>
    %dot_general3A_22 = arith.constant dense<0.000000e+00> : vector<256x1536xf32>
    %dot_general3A_23 = tpu.matmul %slice3A_17, %get3A_21, %dot_general3A_22 {dimension_numbers = #tpu.dot_dimension_numbers<[1], [0], [0], [1], [0, 0, 1, 1], [], []>, transpose_lhs_hint = false} : vector<256x64xf32>, vector<64x1536xf32>, vector<256x1536xf32> -> vector<256x1536xf32>
    %get3A_24 = arith.constant 0 : index
    %get3A_25 = arith.constant 0 : index
    %get3A_26 = vector.load %arg3[%get3A_24, %get3A_25] : memref<1600x25xf32, #tpu.memory_space<vmem>>, vector<1536x24xf32>
    %concatenate3A_27 = tpu.concatenate %slice3A_17, %slice3A_17, %slice3A_17, %slice3A_17, %slice3A_17, %slice3A_17, %slice3A_17, %slice3A_17, %slice3A_17, %slice3A_17, %slice3A_17, %slice3A_17, %slice3A_17, %slice3A_17, %slice3A_17, %slice3A_17, %slice3A_17, %slice3A_17, %slice3A_17, %slice3A_17, %slice3A_17, %slice3A_17, %slice3A_17, %slice3A_17 in 1 : vector<256x64xf32>, vector<256x64xf32>, vector<256x64xf32>, vector<256x64xf32>, vector<256x64xf32>, vector<256x64xf32>, vector<256x64xf32>, vector<256x64xf32>, vector<256x64xf32>, vector<256x64xf32>, vector<256x64xf32>, vector<256x64xf32>, vector<256x64xf32>, vector<256x64xf32>, vector<256x64xf32>, vector<256x64xf32>, vector<256x64xf32>, vector<256x64xf32>, vector<256x64xf32>, vector<256x64xf32>, vector<256x64xf32>, vector<256x64xf32>, vector<256x64xf32>, vector<256x64xf32> -> vector<256x1536xf32>
    %mul3A_28 = arith.mulf %concatenate3A_27, %slice3A_18 : vector<256x1536xf32>
    %dot_general3A_29 = arith.constant dense<0.000000e+00> : vector<256x24xf32>
    %dot_general3A_30 = tpu.matmul %mul3A_28, %get3A_26, %dot_general3A_29 {dimension_numbers = #tpu.dot_dimension_numbers<[1], [0], [0], [1], [0, 0, 1, 1], [], []>, transpose_lhs_hint = false} : vector<256x1536xf32>, vector<1536x24xf32>, vector<256x24xf32> -> vector<256x24xf32>
    %mul3A_31 = arith.mulf %dot_general3A_23, %slice3A_18 : vector<256x1536xf32>
    %dot_general3A_32 = arith.constant dense<0.000000e+00> : vector<256x24xf32>
    %dot_general3A_33 = tpu.matmul %mul3A_31, %get3A_26, %dot_general3A_32 {dimension_numbers = #tpu.dot_dimension_numbers<[1], [0], [0], [1], [0, 0, 1, 1], [], []>, transpose_lhs_hint = false} : vector<256x1536xf32>, vector<1536x24xf32>, vector<256x24xf32> -> vector<256x24xf32>
    %slice3A_34 = vector.extract_strided_slice %get3A_1 {offsets = [0, 128], sizes = [256, 64], strides = [1, 1]} : vector<256x1664xf32> to vector<256x64xf32>
    %slice3A_35 = vector.extract_strided_slice %get3A_1 {offsets = [0, 192], sizes = [256, 1472], strides = [1, 1]} : vector<256x1664xf32> to vector<256x1472xf32>
    %get3A_36 = arith.constant 0 : index
    %get3A_37 = arith.constant 3136 : index
    %get3A_38 = vector.load %arg2[%get3A_36, %get3A_37] : memref<64x20800xf32, #tpu.memory_space<vmem>>, vector<64x1472xf32>
    %dot_general3A_39 = arith.constant dense<0.000000e+00> : vector<256x1472xf32>
    %dot_general3A_40 = tpu.matmul %slice3A_34, %get3A_38, %dot_general3A_39 {dimension_numbers = #tpu.dot_dimension_numbers<[1], [0], [0], [1], [0, 0, 1, 1], [], []>, transpose_lhs_hint = false} : vector<256x64xf32>, vector<64x1472xf32>, vector<256x1472xf32> -> vector<256x1472xf32>
    %get3A_41 = arith.constant 0 : index
    %get3A_42 = arith.constant 0 : index
    %get3A_43 = vector.load %arg3[%get3A_41, %get3A_42] : memref<1600x25xf32, #tpu.memory_space<vmem>>, vector<1472x23xf32>
    %concatenate3A_44 = tpu.concatenate %slice3A_34, %slice3A_34, %slice3A_34, %slice3A_34, %slice3A_34, %slice3A_34, %slice3A_34, %slice3A_34, %slice3A_34, %slice3A_34, %slice3A_34, %slice3A_34, %slice3A_34, %slice3A_34, %slice3A_34, %slice3A_34, %slice3A_34, %slice3A_34, %slice3A_34, %slice3A_34, %slice3A_34, %slice3A_34, %slice3A_34 in 1 : vector<256x64xf32>, vector<256x64xf32>, vector<256x64xf32>, vector<256x64xf32>, vector<256x64xf32>, vector<256x64xf32>, vector<256x64xf32>, vector<256x64xf32>, vector<256x64xf32>, vector<256x64xf32>, vector<256x64xf32>, vector<256x64xf32>, vector<256x64xf32>, vector<256x64xf32>, vector<256x64xf32>, vector<256x64xf32>, vector<256x64xf32>, vector<256x64xf32>, vector<256x64xf32>, vector<256x64xf32>, vector<256x64xf32>, vector<256x64xf32>, vector<256x64xf32> -> vector<256x1472xf32>
    %mul3A_45 = arith.mulf %concatenate3A_44, %slice3A_35 : vector<256x1472xf32>
    %dot_general3A_46 = arith.constant dense<0.000000e+00> : vector<256x23xf32>
    %dot_general3A_47 = tpu.matmul %mul3A_45, %get3A_43, %dot_general3A_46 {dimension_numbers = #tpu.dot_dimension_numbers<[1], [0], [0], [1], [0, 0, 1, 1], [], []>, transpose_lhs_hint = false} : vector<256x1472xf32>, vector<1472x23xf32>, vector<256x23xf32> -> vector<256x23xf32>
    %mul3A_48 = arith.mulf %dot_general3A_40, %slice3A_35 : vector<256x1472xf32>
    %dot_general3A_49 = arith.constant dense<0.000000e+00> : vector<256x23xf32>
    %dot_general3A_50 = tpu.matmul %mul3A_48, %get3A_43, %dot_general3A_49 {dimension_numbers = #tpu.dot_dimension_numbers<[1], [0], [0], [1], [0, 0, 1, 1], [], []>, transpose_lhs_hint = false} : vector<256x1472xf32>, vector<1472x23xf32>, vector<256x23xf32> -> vector<256x23xf32>
    %slice3A_51 = vector.extract_strided_slice %get3A_1 {offsets = [0, 192], sizes = [256, 64], strides = [1, 1]} : vector<256x1664xf32> to vector<256x64xf32>
    %slice3A_52 = vector.extract_strided_slice %get3A_1 {offsets = [0, 256], sizes = [256, 1408], strides = [1, 1]} : vector<256x1664xf32> to vector<256x1408xf32>
    %get3A_53 = arith.constant 0 : index
    %get3A_54 = arith.constant 4608 : index
    %get3A_55 = vector.load %arg2[%get3A_53, %get3A_54] : memref<64x20800xf32, #tpu.memory_space<vmem>>, vector<64x1408xf32>
    %dot_general3A_56 = arith.constant dense<0.000000e+00> : vector<256x1408xf32>
    %dot_general3A_57 = tpu.matmul %slice3A_51, %get3A_55, %dot_general3A_56 {dimension_numbers = #tpu.dot_dimension_numbers<[1], [0], [0], [1], [0, 0, 1, 1], [], []>, transpose_lhs_hint = false} : vector<256x64xf32>, vector<64x1408xf32>, vector<256x1408xf32> -> vector<256x1408xf32>
    %get3A_58 = arith.constant 0 : index
    %get3A_59 = arith.constant 0 : index
    %get3A_60 = vector.load %arg3[%get3A_58, %get3A_59] : memref<1600x25xf32, #tpu.memory_space<vmem>>, vector<1408x22xf32>
    %concatenate3A_61 = tpu.concatenate %slice3A_51, %slice3A_51, %slice3A_51, %slice3A_51, %slice3A_51, %slice3A_51, %slice3A_51, %slice3A_51, %slice3A_51, %slice3A_51, %slice3A_51, %slice3A_51, %slice3A_51, %slice3A_51, %slice3A_51, %slice3A_51, %slice3A_51, %slice3A_51, %slice3A_51, %slice3A_51, %slice3A_51, %slice3A_51 in 1 : vector<256x64xf32>, vector<256x64xf32>, vector<256x64xf32>, vector<256x64xf32>, vector<256x64xf32>, vector<256x64xf32>, vector<256x64xf32>, vector<256x64xf32>, vector<256x64xf32>, vector<256x64xf32>, vector<256x64xf32>, vector<256x64xf32>, vector<256x64xf32>, vector<256x64xf32>, vector<256x64xf32>, vector<256x64xf32>, vector<256x64xf32>, vector<256x64xf32>, vector<256x64xf32>, vector<256x64xf32>, vector<256x64xf32>, vector<256x64xf32> -> vector<256x1408xf32>
    %mul3A_62 = arith.mulf %concatenate3A_61, %slice3A_52 : vector<256x1408xf32>
    %dot_general3A_63 = arith.constant dense<0.000000e+00> : vector<256x22xf32>
    %dot_general3A_64 = tpu.matmul %mul3A_62, %get3A_60, %dot_general3A_63 {dimension_numbers = #tpu.dot_dimension_numbers<[1], [0], [0], [1], [0, 0, 1, 1], [], []>, transpose_lhs_hint = false} : vector<256x1408xf32>, vector<1408x22xf32>, vector<256x22xf32> -> vector<256x22xf32>
    %mul3A_65 = arith.mulf %dot_general3A_57, %slice3A_52 : vector<256x1408xf32>
    %dot_general3A_66 = arith.constant dense<0.000000e+00> : vector<256x22xf32>
    %dot_general3A_67 = tpu.matmul %mul3A_65, %get3A_60, %dot_general3A_66 {dimension_numbers = #tpu.dot_dimension_numbers<[1], [0], [0], [1], [0, 0, 1, 1], [], []>, transpose_lhs_hint = false} : vector<256x1408xf32>, vector<1408x22xf32>, vector<256x22xf32> -> vector<256x22xf32>
    %slice3A_68 = vector.extract_strided_slice %get3A_1 {offsets = [0, 256], sizes = [256, 64], strides = [1, 1]} : vector<256x1664xf32> to vector<256x64xf32>
    %slice3A_69 = vector.extract_strided_slice %get3A_1 {offsets = [0, 320], sizes = [256, 1344], strides = [1, 1]} : vector<256x1664xf32> to vector<256x1344xf32>
    %get3A_70 = arith.constant 0 : index
    %get3A_71 = arith.constant 6016 : index
    %get3A_72 = vector.load %arg2[%get3A_70, %get3A_71] : memref<64x20800xf32, #tpu.memory_space<vmem>>, vector<64x1344xf32>
    %dot_general3A_73 = arith.constant dense<0.000000e+00> : vector<256x1344xf32>
    %dot_general3A_74 = tpu.matmul %slice3A_68, %get3A_72, %dot_general3A_73 {dimension_numbers = #tpu.dot_dimension_numbers<[1], [0], [0], [1], [0, 0, 1, 1], [], []>, transpose_lhs_hint = false} : vector<256x64xf32>, vector<64x1344xf32>, vector<256x1344xf32> -> vector<256x1344xf32>
    %get3A_75 = arith.constant 0 : index
    %get3A_76 = arith.constant 0 : index
    %get3A_77 = vector.load %arg3[%get3A_75, %get3A_76] : memref<1600x25xf32, #tpu.memory_space<vmem>>, vector<1344x21xf32>
    %concatenate3A_78 = tpu.concatenate %slice3A_68, %slice3A_68, %slice3A_68, %slice3A_68, %slice3A_68, %slice3A_68, %slice3A_68, %slice3A_68, %slice3A_68, %slice3A_68, %slice3A_68, %slice3A_68, %slice3A_68, %slice3A_68, %slice3A_68, %slice3A_68, %slice3A_68, %slice3A_68, %slice3A_68, %slice3A_68, %slice3A_68 in 1 : vector<256x64xf32>, vector<256x64xf32>, vector<256x64xf32>, vector<256x64xf32>, vector<256x64xf32>, vector<256x64xf32>, vector<256x64xf32>, vector<256x64xf32>, vector<256x64xf32>, vector<256x64xf32>, vector<256x64xf32>, vector<256x64xf32>, vector<256x64xf32>, vector<256x64xf32>, vector<256x64xf32>, vector<256x64xf32>, vector<256x64xf32>, vector<256x64xf32>, vector<256x64xf32>, vector<256x64xf32>, vector<256x64xf32> -> vector<256x1344xf32>
    %mul3A_79 = arith.mulf %concatenate3A_78, %slice3A_69 : vector<256x1344xf32>
    %dot_general3A_80 = arith.constant dense<0.000000e+00> : vector<256x21xf32>
    %dot_general3A_81 = tpu.matmul %mul3A_79, %get3A_77, %dot_general3A_80 {dimension_numbers = #tpu.dot_dimension_numbers<[1], [0], [0], [1], [0, 0, 1, 1], [], []>, transpose_lhs_hint = false} : vector<256x1344xf32>, vector<1344x21xf32>, vector<256x21xf32> -> vector<256x21xf32>
    %mul3A_82 = arith.mulf %dot_general3A_74, %slice3A_69 : vector<256x1344xf32>
    %dot_general3A_83 = arith.constant dense<0.000000e+00> : vector<256x21xf32>
    %dot_general3A_84 = tpu.matmul %mul3A_82, %get3A_77, %dot_general3A_83 {dimension_numbers = #tpu.dot_dimension_numbers<[1], [0], [0], [1], [0, 0, 1, 1], [], []>, transpose_lhs_hint = false} : vector<256x1344xf32>, vector<1344x21xf32>, vector<256x21xf32> -> vector<256x21xf32>
    %slice3A_85 = vector.extract_strided_slice %get3A_1 {offsets = [0, 320], sizes = [256, 64], strides = [1, 1]} : vector<256x1664xf32> to vector<256x64xf32>
    %slice3A_86 = vector.extract_strided_slice %get3A_1 {offsets = [0, 384], sizes = [256, 1280], strides = [1, 1]} : vector<256x1664xf32> to vector<256x1280xf32>
    %get3A_87 = arith.constant 0 : index
    %get3A_88 = arith.constant 7360 : index
    %get3A_89 = vector.load %arg2[%get3A_87, %get3A_88] : memref<64x20800xf32, #tpu.memory_space<vmem>>, vector<64x1280xf32>
    %dot_general3A_90 = arith.constant dense<0.000000e+00> : vector<256x1280xf32>
    %dot_general3A_91 = tpu.matmul %slice3A_85, %get3A_89, %dot_general3A_90 {dimension_numbers = #tpu.dot_dimension_numbers<[1], [0], [0], [1], [0, 0, 1, 1], [], []>, transpose_lhs_hint = false} : vector<256x64xf32>, vector<64x1280xf32>, vector<256x1280xf32> -> vector<256x1280xf32>
    %get3A_92 = arith.constant 0 : index
    %get3A_93 = arith.constant 0 : index
    %get3A_94 = vector.load %arg3[%get3A_92, %get3A_93] : memref<1600x25xf32, #tpu.memory_space<vmem>>, vector<1280x20xf32>
    %concatenate3A_95 = tpu.concatenate %slice3A_85, %slice3A_85, %slice3A_85, %slice3A_85, %slice3A_85, %slice3A_85, %slice3A_85, %slice3A_85, %slice3A_85, %slice3A_85, %slice3A_85, %slice3A_85, %slice3A_85, %slice3A_85, %slice3A_85, %slice3A_85, %slice3A_85, %slice3A_85, %slice3A_85, %slice3A_85 in 1 : vector<256x64xf32>, vector<256x64xf32>, vector<256x64xf32>, vector<256x64xf32>, vector<256x64xf32>, vector<256x64xf32>, vector<256x64xf32>, vector<256x64xf32>, vector<256x64xf32>, vector<256x64xf32>, vector<256x64xf32>, vector<256x64xf32>, vector<256x64xf32>, vector<256x64xf32>, vector<256x64xf32>, vector<256x64xf32>, vector<256x64xf32>, vector<256x64xf32>, vector<256x64xf32>, vector<256x64xf32> -> vector<256x1280xf32>
    %mul3A_96 = arith.mulf %concatenate3A_95, %slice3A_86 : vector<256x1280xf32>
    %dot_general3A_97 = arith.constant dense<0.000000e+00> : vector<256x20xf32>
    %dot_general3A_98 = tpu.matmul %mul3A_96, %get3A_94, %dot_general3A_97 {dimension_numbers = #tpu.dot_dimension_numbers<[1], [0], [0], [1], [0, 0, 1, 1], [], []>, transpose_lhs_hint = false} : vector<256x1280xf32>, vector<1280x20xf32>, vector<256x20xf32> -> vector<256x20xf32>
    %mul3A_99 = arith.mulf %dot_general3A_91, %slice3A_86 : vector<256x1280xf32>
    %dot_general3A_100 = arith.constant dense<0.000000e+00> : vector<256x20xf32>
    %dot_general3A_101 = tpu.matmul %mul3A_99, %get3A_94, %dot_general3A_100 {dimension_numbers = #tpu.dot_dimension_numbers<[1], [0], [0], [1], [0, 0, 1, 1], [], []>, transpose_lhs_hint = false} : vector<256x1280xf32>, vector<1280x20xf32>, vector<256x20xf32> -> vector<256x20xf32>
    %slice3A_102 = vector.extract_strided_slice %get3A_1 {offsets = [0, 384], sizes = [256, 64], strides = [1, 1]} : vector<256x1664xf32> to vector<256x64xf32>
    %slice3A_103 = vector.extract_strided_slice %get3A_1 {offsets = [0, 448], sizes = [256, 1216], strides = [1, 1]} : vector<256x1664xf32> to vector<256x1216xf32>
    %get3A_104 = arith.constant 0 : index
    %get3A_105 = arith.constant 8640 : index
    %get3A_106 = vector.load %arg2[%get3A_104, %get3A_105] : memref<64x20800xf32, #tpu.memory_space<vmem>>, vector<64x1216xf32>
    %dot_general3A_107 = arith.constant dense<0.000000e+00> : vector<256x1216xf32>
    %dot_general3A_108 = tpu.matmul %slice3A_102, %get3A_106, %dot_general3A_107 {dimension_numbers = #tpu.dot_dimension_numbers<[1], [0], [0], [1], [0, 0, 1, 1], [], []>, transpose_lhs_hint = false} : vector<256x64xf32>, vector<64x1216xf32>, vector<256x1216xf32> -> vector<256x1216xf32>
    %get3A_109 = arith.constant 0 : index
    %get3A_110 = arith.constant 0 : index
    %get3A_111 = vector.load %arg3[%get3A_109, %get3A_110] : memref<1600x25xf32, #tpu.memory_space<vmem>>, vector<1216x19xf32>
    %concatenate3A_112 = tpu.concatenate %slice3A_102, %slice3A_102, %slice3A_102, %slice3A_102, %slice3A_102, %slice3A_102, %slice3A_102, %slice3A_102, %slice3A_102, %slice3A_102, %slice3A_102, %slice3A_102, %slice3A_102, %slice3A_102, %slice3A_102, %slice3A_102, %slice3A_102, %slice3A_102, %slice3A_102 in 1 : vector<256x64xf32>, vector<256x64xf32>, vector<256x64xf32>, vector<256x64xf32>, vector<256x64xf32>, vector<256x64xf32>, vector<256x64xf32>, vector<256x64xf32>, vector<256x64xf32>, vector<256x64xf32>, vector<256x64xf32>, vector<256x64xf32>, vector<256x64xf32>, vector<256x64xf32>, vector<256x64xf32>, vector<256x64xf32>, vector<256x64xf32>, vector<256x64xf32>, vector<256x64xf32> -> vector<256x1216xf32>
    %mul3A_113 = arith.mulf %concatenate3A_112, %slice3A_103 : vector<256x1216xf32>
    %dot_general3A_114 = arith.constant dense<0.000000e+00> : vector<256x19xf32>
    %dot_general3A_115 = tpu.matmul %mul3A_113, %get3A_111, %dot_general3A_114 {dimension_numbers = #tpu.dot_dimension_numbers<[1], [0], [0], [1], [0, 0, 1, 1], [], []>, transpose_lhs_hint = false} : vector<256x1216xf32>, vector<1216x19xf32>, vector<256x19xf32> -> vector<256x19xf32>
    %mul3A_116 = arith.mulf %dot_general3A_108, %slice3A_103 : vector<256x1216xf32>
    %dot_general3A_117 = arith.constant dense<0.000000e+00> : vector<256x19xf32>
    %dot_general3A_118 = tpu.matmul %mul3A_116, %get3A_111, %dot_general3A_117 {dimension_numbers = #tpu.dot_dimension_numbers<[1], [0], [0], [1], [0, 0, 1, 1], [], []>, transpose_lhs_hint = false} : vector<256x1216xf32>, vector<1216x19xf32>, vector<256x19xf32> -> vector<256x19xf32>
    %slice3A_119 = vector.extract_strided_slice %get3A_1 {offsets = [0, 448], sizes = [256, 64], strides = [1, 1]} : vector<256x1664xf32> to vector<256x64xf32>
    %slice3A_120 = vector.extract_strided_slice %get3A_1 {offsets = [0, 512], sizes = [256, 1152], strides = [1, 1]} : vector<256x1664xf32> to vector<256x1152xf32>
    %get3A_121 = arith.constant 0 : index
    %get3A_122 = arith.constant 9856 : index
    %get3A_123 = vector.load %arg2[%get3A_121, %get3A_122] : memref<64x20800xf32, #tpu.memory_space<vmem>>, vector<64x1152xf32>
    %dot_general3A_124 = arith.constant dense<0.000000e+00> : vector<256x1152xf32>
    %dot_general3A_125 = tpu.matmul %slice3A_119, %get3A_123, %dot_general3A_124 {dimension_numbers = #tpu.dot_dimension_numbers<[1], [0], [0], [1], [0, 0, 1, 1], [], []>, transpose_lhs_hint = false} : vector<256x64xf32>, vector<64x1152xf32>, vector<256x1152xf32> -> vector<256x1152xf32>
    %get3A_126 = arith.constant 0 : index
    %get3A_127 = arith.constant 0 : index
    %get3A_128 = vector.load %arg3[%get3A_126, %get3A_127] : memref<1600x25xf32, #tpu.memory_space<vmem>>, vector<1152x18xf32>
    %concatenate3A_129 = tpu.concatenate %slice3A_119, %slice3A_119, %slice3A_119, %slice3A_119, %slice3A_119, %slice3A_119, %slice3A_119, %slice3A_119, %slice3A_119, %slice3A_119, %slice3A_119, %slice3A_119, %slice3A_119, %slice3A_119, %slice3A_119, %slice3A_119, %slice3A_119, %slice3A_119 in 1 : vector<256x64xf32>, vector<256x64xf32>, vector<256x64xf32>, vector<256x64xf32>, vector<256x64xf32>, vector<256x64xf32>, vector<256x64xf32>, vector<256x64xf32>, vector<256x64xf32>, vector<256x64xf32>, vector<256x64xf32>, vector<256x64xf32>, vector<256x64xf32>, vector<256x64xf32>, vector<256x64xf32>, vector<256x64xf32>, vector<256x64xf32>, vector<256x64xf32> -> vector<256x1152xf32>
    %mul3A_130 = arith.mulf %concatenate3A_129, %slice3A_120 : vector<256x1152xf32>
    %dot_general3A_131 = arith.constant dense<0.000000e+00> : vector<256x18xf32>
    %dot_general3A_132 = tpu.matmul %mul3A_130, %get3A_128, %dot_general3A_131 {dimension_numbers = #tpu.dot_dimension_numbers<[1], [0], [0], [1], [0, 0, 1, 1], [], []>, transpose_lhs_hint = false} : vector<256x1152xf32>, vector<1152x18xf32>, vector<256x18xf32> -> vector<256x18xf32>
    %mul3A_133 = arith.mulf %dot_general3A_125, %slice3A_120 : vector<256x1152xf32>
    %dot_general3A_134 = arith.constant dense<0.000000e+00> : vector<256x18xf32>
    %dot_general3A_135 = tpu.matmul %mul3A_133, %get3A_128, %dot_general3A_134 {dimension_numbers = #tpu.dot_dimension_numbers<[1], [0], [0], [1], [0, 0, 1, 1], [], []>, transpose_lhs_hint = false} : vector<256x1152xf32>, vector<1152x18xf32>, vector<256x18xf32> -> vector<256x18xf32>
    %slice3A_136 = vector.extract_strided_slice %get3A_1 {offsets = [0, 512], sizes = [256, 64], strides = [1, 1]} : vector<256x1664xf32> to vector<256x64xf32>
    %slice3A_137 = vector.extract_strided_slice %get3A_1 {offsets = [0, 576], sizes = [256, 1088], strides = [1, 1]} : vector<256x1664xf32> to vector<256x1088xf32>
    %get3A_138 = arith.constant 0 : index
    %get3A_139 = arith.constant 11008 : index
    %get3A_140 = vector.load %arg2[%get3A_138, %get3A_139] : memref<64x20800xf32, #tpu.memory_space<vmem>>, vector<64x1088xf32>
    %dot_general3A_141 = arith.constant dense<0.000000e+00> : vector<256x1088xf32>
    %dot_general3A_142 = tpu.matmul %slice3A_136, %get3A_140, %dot_general3A_141 {dimension_numbers = #tpu.dot_dimension_numbers<[1], [0], [0], [1], [0, 0, 1, 1], [], []>, transpose_lhs_hint = false} : vector<256x64xf32>, vector<64x1088xf32>, vector<256x1088xf32> -> vector<256x1088xf32>
    %get3A_143 = arith.constant 0 : index
    %get3A_144 = arith.constant 0 : index
    %get3A_145 = vector.load %arg3[%get3A_143, %get3A_144] : memref<1600x25xf32, #tpu.memory_space<vmem>>, vector<1088x17xf32>
    %concatenate3A_146 = tpu.concatenate %slice3A_136, %slice3A_136, %slice3A_136, %slice3A_136, %slice3A_136, %slice3A_136, %slice3A_136, %slice3A_136, %slice3A_136, %slice3A_136, %slice3A_136, %slice3A_136, %slice3A_136, %slice3A_136, %slice3A_136, %slice3A_136, %slice3A_136 in 1 : vector<256x64xf32>, vector<256x64xf32>, vector<256x64xf32>, vector<256x64xf32>, vector<256x64xf32>, vector<256x64xf32>, vector<256x64xf32>, vector<256x64xf32>, vector<256x64xf32>, vector<256x64xf32>, vector<256x64xf32>, vector<256x64xf32>, vector<256x64xf32>, vector<256x64xf32>, vector<256x64xf32>, vector<256x64xf32>, vector<256x64xf32> -> vector<256x1088xf32>
    %mul3A_147 = arith.mulf %concatenate3A_146, %slice3A_137 : vector<256x1088xf32>
    %dot_general3A_148 = arith.constant dense<0.000000e+00> : vector<256x17xf32>
    %dot_general3A_149 = tpu.matmul %mul3A_147, %get3A_145, %dot_general3A_148 {dimension_numbers = #tpu.dot_dimension_numbers<[1], [0], [0], [1], [0, 0, 1, 1], [], []>, transpose_lhs_hint = false} : vector<256x1088xf32>, vector<1088x17xf32>, vector<256x17xf32> -> vector<256x17xf32>
    %mul3A_150 = arith.mulf %dot_general3A_142, %slice3A_137 : vector<256x1088xf32>
    %dot_general3A_151 = arith.constant dense<0.000000e+00> : vector<256x17xf32>
    %dot_general3A_152 = tpu.matmul %mul3A_150, %get3A_145, %dot_general3A_151 {dimension_numbers = #tpu.dot_dimension_numbers<[1], [0], [0], [1], [0, 0, 1, 1], [], []>, transpose_lhs_hint = false} : vector<256x1088xf32>, vector<1088x17xf32>, vector<256x17xf32> -> vector<256x17xf32>
    %slice3A_153 = vector.extract_strided_slice %get3A_1 {offsets = [0, 576], sizes = [256, 64], strides = [1, 1]} : vector<256x1664xf32> to vector<256x64xf32>
    %slice3A_154 = vector.extract_strided_slice %get3A_1 {offsets = [0, 640], sizes = [256, 1024], strides = [1, 1]} : vector<256x1664xf32> to vector<256x1024xf32>
    %get3A_155 = arith.constant 0 : index
    %get3A_156 = arith.constant 12096 : index
    %get3A_157 = vector.load %arg2[%get3A_155, %get3A_156] : memref<64x20800xf32, #tpu.memory_space<vmem>>, vector<64x1024xf32>
    %dot_general3A_158 = arith.constant dense<0.000000e+00> : vector<256x1024xf32>
    %dot_general3A_159 = tpu.matmul %slice3A_153, %get3A_157, %dot_general3A_158 {dimension_numbers = #tpu.dot_dimension_numbers<[1], [0], [0], [1], [0, 0, 1, 1], [], []>, transpose_lhs_hint = false} : vector<256x64xf32>, vector<64x1024xf32>, vector<256x1024xf32> -> vector<256x1024xf32>
    %get3A_160 = arith.constant 0 : index
    %get3A_161 = arith.constant 0 : index
    %get3A_162 = vector.load %arg3[%get3A_160, %get3A_161] : memref<1600x25xf32, #tpu.memory_space<vmem>>, vector<1024x16xf32>
    %concatenate3A_163 = tpu.concatenate %slice3A_153, %slice3A_153, %slice3A_153, %slice3A_153, %slice3A_153, %slice3A_153, %slice3A_153, %slice3A_153, %slice3A_153, %slice3A_153, %slice3A_153, %slice3A_153, %slice3A_153, %slice3A_153, %slice3A_153, %slice3A_153 in 1 : vector<256x64xf32>, vector<256x64xf32>, vector<256x64xf32>, vector<256x64xf32>, vector<256x64xf32>, vector<256x64xf32>, vector<256x64xf32>, vector<256x64xf32>, vector<256x64xf32>, vector<256x64xf32>, vector<256x64xf32>, vector<256x64xf32>, vector<256x64xf32>, vector<256x64xf32>, vector<256x64xf32>, vector<256x64xf32> -> vector<256x1024xf32>
    %mul3A_164 = arith.mulf %concatenate3A_163, %slice3A_154 : vector<256x1024xf32>
    %dot_general3A_165 = arith.constant dense<0.000000e+00> : vector<256x16xf32>
    %dot_general3A_166 = tpu.matmul %mul3A_164, %get3A_162, %dot_general3A_165 {dimension_numbers = #tpu.dot_dimension_numbers<[1], [0], [0], [1], [0, 0, 1, 1], [], []>, transpose_lhs_hint = false} : vector<256x1024xf32>, vector<1024x16xf32>, vector<256x16xf32> -> vector<256x16xf32>
    %mul3A_167 = arith.mulf %dot_general3A_159, %slice3A_154 : vector<256x1024xf32>
    %dot_general3A_168 = arith.constant dense<0.000000e+00> : vector<256x16xf32>
    %dot_general3A_169 = tpu.matmul %mul3A_167, %get3A_162, %dot_general3A_168 {dimension_numbers = #tpu.dot_dimension_numbers<[1], [0], [0], [1], [0, 0, 1, 1], [], []>, transpose_lhs_hint = false} : vector<256x1024xf32>, vector<1024x16xf32>, vector<256x16xf32> -> vector<256x16xf32>
    %slice3A_170 = vector.extract_strided_slice %get3A_1 {offsets = [0, 640], sizes = [256, 64], strides = [1, 1]} : vector<256x1664xf32> to vector<256x64xf32>
    %slice3A_171 = vector.extract_strided_slice %get3A_1 {offsets = [0, 704], sizes = [256, 960], strides = [1, 1]} : vector<256x1664xf32> to vector<256x960xf32>
    %get3A_172 = arith.constant 0 : index
    %get3A_173 = arith.constant 13120 : index
    %get3A_174 = vector.load %arg2[%get3A_172, %get3A_173] : memref<64x20800xf32, #tpu.memory_space<vmem>>, vector<64x960xf32>
    %dot_general3A_175 = arith.constant dense<0.000000e+00> : vector<256x960xf32>
    %dot_general3A_176 = tpu.matmul %slice3A_170, %get3A_174, %dot_general3A_175 {dimension_numbers = #tpu.dot_dimension_numbers<[1], [0], [0], [1], [0, 0, 1, 1], [], []>, transpose_lhs_hint = false} : vector<256x64xf32>, vector<64x960xf32>, vector<256x960xf32> -> vector<256x960xf32>
    %get3A_177 = arith.constant 0 : index
    %get3A_178 = arith.constant 0 : index
    %get3A_179 = vector.load %arg3[%get3A_177, %get3A_178] : memref<1600x25xf32, #tpu.memory_space<vmem>>, vector<960x15xf32>
    %concatenate3A_180 = tpu.concatenate %slice3A_170, %slice3A_170, %slice3A_170, %slice3A_170, %slice3A_170, %slice3A_170, %slice3A_170, %slice3A_170, %slice3A_170, %slice3A_170, %slice3A_170, %slice3A_170, %slice3A_170, %slice3A_170, %slice3A_170 in 1 : vector<256x64xf32>, vector<256x64xf32>, vector<256x64xf32>, vector<256x64xf32>, vector<256x64xf32>, vector<256x64xf32>, vector<256x64xf32>, vector<256x64xf32>, vector<256x64xf32>, vector<256x64xf32>, vector<256x64xf32>, vector<256x64xf32>, vector<256x64xf32>, vector<256x64xf32>, vector<256x64xf32> -> vector<256x960xf32>
    %mul3A_181 = arith.mulf %concatenate3A_180, %slice3A_171 : vector<256x960xf32>
    %dot_general3A_182 = arith.constant dense<0.000000e+00> : vector<256x15xf32>
    %dot_general3A_183 = tpu.matmul %mul3A_181, %get3A_179, %dot_general3A_182 {dimension_numbers = #tpu.dot_dimension_numbers<[1], [0], [0], [1], [0, 0, 1, 1], [], []>, transpose_lhs_hint = false} : vector<256x960xf32>, vector<960x15xf32>, vector<256x15xf32> -> vector<256x15xf32>
    %mul3A_184 = arith.mulf %dot_general3A_176, %slice3A_171 : vector<256x960xf32>
    %dot_general3A_185 = arith.constant dense<0.000000e+00> : vector<256x15xf32>
    %dot_general3A_186 = tpu.matmul %mul3A_184, %get3A_179, %dot_general3A_185 {dimension_numbers = #tpu.dot_dimension_numbers<[1], [0], [0], [1], [0, 0, 1, 1], [], []>, transpose_lhs_hint = false} : vector<256x960xf32>, vector<960x15xf32>, vector<256x15xf32> -> vector<256x15xf32>
    %slice3A_187 = vector.extract_strided_slice %get3A_1 {offsets = [0, 704], sizes = [256, 64], strides = [1, 1]} : vector<256x1664xf32> to vector<256x64xf32>
    %slice3A_188 = vector.extract_strided_slice %get3A_1 {offsets = [0, 768], sizes = [256, 896], strides = [1, 1]} : vector<256x1664xf32> to vector<256x896xf32>
    %get3A_189 = arith.constant 0 : index
    %get3A_190 = arith.constant 14080 : index
    %get3A_191 = vector.load %arg2[%get3A_189, %get3A_190] : memref<64x20800xf32, #tpu.memory_space<vmem>>, vector<64x896xf32>
    %dot_general3A_192 = arith.constant dense<0.000000e+00> : vector<256x896xf32>
    %dot_general3A_193 = tpu.matmul %slice3A_187, %get3A_191, %dot_general3A_192 {dimension_numbers = #tpu.dot_dimension_numbers<[1], [0], [0], [1], [0, 0, 1, 1], [], []>, transpose_lhs_hint = false} : vector<256x64xf32>, vector<64x896xf32>, vector<256x896xf32> -> vector<256x896xf32>
    %get3A_194 = arith.constant 0 : index
    %get3A_195 = arith.constant 0 : index
    %get3A_196 = vector.load %arg3[%get3A_194, %get3A_195] : memref<1600x25xf32, #tpu.memory_space<vmem>>, vector<896x14xf32>
    %concatenate3A_197 = tpu.concatenate %slice3A_187, %slice3A_187, %slice3A_187, %slice3A_187, %slice3A_187, %slice3A_187, %slice3A_187, %slice3A_187, %slice3A_187, %slice3A_187, %slice3A_187, %slice3A_187, %slice3A_187, %slice3A_187 in 1 : vector<256x64xf32>, vector<256x64xf32>, vector<256x64xf32>, vector<256x64xf32>, vector<256x64xf32>, vector<256x64xf32>, vector<256x64xf32>, vector<256x64xf32>, vector<256x64xf32>, vector<256x64xf32>, vector<256x64xf32>, vector<256x64xf32>, vector<256x64xf32>, vector<256x64xf32> -> vector<256x896xf32>
    %mul3A_198 = arith.mulf %concatenate3A_197, %slice3A_188 : vector<256x896xf32>
    %dot_general3A_199 = arith.constant dense<0.000000e+00> : vector<256x14xf32>
    %dot_general3A_200 = tpu.matmul %mul3A_198, %get3A_196, %dot_general3A_199 {dimension_numbers = #tpu.dot_dimension_numbers<[1], [0], [0], [1], [0, 0, 1, 1], [], []>, transpose_lhs_hint = false} : vector<256x896xf32>, vector<896x14xf32>, vector<256x14xf32> -> vector<256x14xf32>
    %mul3A_201 = arith.mulf %dot_general3A_193, %slice3A_188 : vector<256x896xf32>
    %dot_general3A_202 = arith.constant dense<0.000000e+00> : vector<256x14xf32>
    %dot_general3A_203 = tpu.matmul %mul3A_201, %get3A_196, %dot_general3A_202 {dimension_numbers = #tpu.dot_dimension_numbers<[1], [0], [0], [1], [0, 0, 1, 1], [], []>, transpose_lhs_hint = false} : vector<256x896xf32>, vector<896x14xf32>, vector<256x14xf32> -> vector<256x14xf32>
    %slice3A_204 = vector.extract_strided_slice %get3A_1 {offsets = [0, 768], sizes = [256, 64], strides = [1, 1]} : vector<256x1664xf32> to vector<256x64xf32>
    %slice3A_205 = vector.extract_strided_slice %get3A_1 {offsets = [0, 832], sizes = [256, 832], strides = [1, 1]} : vector<256x1664xf32> to vector<256x832xf32>
    %get3A_206 = arith.constant 0 : index
    %get3A_207 = arith.constant 14976 : index
    %get3A_208 = vector.load %arg2[%get3A_206, %get3A_207] : memref<64x20800xf32, #tpu.memory_space<vmem>>, vector<64x832xf32>
    %dot_general3A_209 = arith.constant dense<0.000000e+00> : vector<256x832xf32>
    %dot_general3A_210 = tpu.matmul %slice3A_204, %get3A_208, %dot_general3A_209 {dimension_numbers = #tpu.dot_dimension_numbers<[1], [0], [0], [1], [0, 0, 1, 1], [], []>, transpose_lhs_hint = false} : vector<256x64xf32>, vector<64x832xf32>, vector<256x832xf32> -> vector<256x832xf32>
    %get3A_211 = arith.constant 0 : index
    %get3A_212 = arith.constant 0 : index
    %get3A_213 = vector.load %arg3[%get3A_211, %get3A_212] : memref<1600x25xf32, #tpu.memory_space<vmem>>, vector<832x13xf32>
    %concatenate3A_214 = tpu.concatenate %slice3A_204, %slice3A_204, %slice3A_204, %slice3A_204, %slice3A_204, %slice3A_204, %slice3A_204, %slice3A_204, %slice3A_204, %slice3A_204, %slice3A_204, %slice3A_204, %slice3A_204 in 1 : vector<256x64xf32>, vector<256x64xf32>, vector<256x64xf32>, vector<256x64xf32>, vector<256x64xf32>, vector<256x64xf32>, vector<256x64xf32>, vector<256x64xf32>, vector<256x64xf32>, vector<256x64xf32>, vector<256x64xf32>, vector<256x64xf32>, vector<256x64xf32> -> vector<256x832xf32>
    %mul3A_215 = arith.mulf %concatenate3A_214, %slice3A_205 : vector<256x832xf32>
    %dot_general3A_216 = arith.constant dense<0.000000e+00> : vector<256x13xf32>
    %dot_general3A_217 = tpu.matmul %mul3A_215, %get3A_213, %dot_general3A_216 {dimension_numbers = #tpu.dot_dimension_numbers<[1], [0], [0], [1], [0, 0, 1, 1], [], []>, transpose_lhs_hint = false} : vector<256x832xf32>, vector<832x13xf32>, vector<256x13xf32> -> vector<256x13xf32>
    %mul3A_218 = arith.mulf %dot_general3A_210, %slice3A_205 : vector<256x832xf32>
    %dot_general3A_219 = arith.constant dense<0.000000e+00> : vector<256x13xf32>
    %dot_general3A_220 = tpu.matmul %mul3A_218, %get3A_213, %dot_general3A_219 {dimension_numbers = #tpu.dot_dimension_numbers<[1], [0], [0], [1], [0, 0, 1, 1], [], []>, transpose_lhs_hint = false} : vector<256x832xf32>, vector<832x13xf32>, vector<256x13xf32> -> vector<256x13xf32>
    %slice3A_221 = vector.extract_strided_slice %get3A_1 {offsets = [0, 832], sizes = [256, 64], strides = [1, 1]} : vector<256x1664xf32> to vector<256x64xf32>
    %slice3A_222 = vector.extract_strided_slice %get3A_1 {offsets = [0, 896], sizes = [256, 768], strides = [1, 1]} : vector<256x1664xf32> to vector<256x768xf32>
    %get3A_223 = arith.constant 0 : index
    %get3A_224 = arith.constant 15808 : index
    %get3A_225 = vector.load %arg2[%get3A_223, %get3A_224] : memref<64x20800xf32, #tpu.memory_space<vmem>>, vector<64x768xf32>
    %dot_general3A_226 = arith.constant dense<0.000000e+00> : vector<256x768xf32>
    %dot_general3A_227 = tpu.matmul %slice3A_221, %get3A_225, %dot_general3A_226 {dimension_numbers = #tpu.dot_dimension_numbers<[1], [0], [0], [1], [0, 0, 1, 1], [], []>, transpose_lhs_hint = false} : vector<256x64xf32>, vector<64x768xf32>, vector<256x768xf32> -> vector<256x768xf32>
    %get3A_228 = arith.constant 0 : index
    %get3A_229 = arith.constant 0 : index
    %get3A_230 = vector.load %arg3[%get3A_228, %get3A_229] : memref<1600x25xf32, #tpu.memory_space<vmem>>, vector<768x12xf32>
    %concatenate3A_231 = tpu.concatenate %slice3A_221, %slice3A_221, %slice3A_221, %slice3A_221, %slice3A_221, %slice3A_221, %slice3A_221, %slice3A_221, %slice3A_221, %slice3A_221, %slice3A_221, %slice3A_221 in 1 : vector<256x64xf32>, vector<256x64xf32>, vector<256x64xf32>, vector<256x64xf32>, vector<256x64xf32>, vector<256x64xf32>, vector<256x64xf32>, vector<256x64xf32>, vector<256x64xf32>, vector<256x64xf32>, vector<256x64xf32>, vector<256x64xf32> -> vector<256x768xf32>
    %mul3A_232 = arith.mulf %concatenate3A_231, %slice3A_222 : vector<256x768xf32>
    %dot_general3A_233 = arith.constant dense<0.000000e+00> : vector<256x12xf32>
    %dot_general3A_234 = tpu.matmul %mul3A_232, %get3A_230, %dot_general3A_233 {dimension_numbers = #tpu.dot_dimension_numbers<[1], [0], [0], [1], [0, 0, 1, 1], [], []>, transpose_lhs_hint = false} : vector<256x768xf32>, vector<768x12xf32>, vector<256x12xf32> -> vector<256x12xf32>
    %mul3A_235 = arith.mulf %dot_general3A_227, %slice3A_222 : vector<256x768xf32>
    %dot_general3A_236 = arith.constant dense<0.000000e+00> : vector<256x12xf32>
    %dot_general3A_237 = tpu.matmul %mul3A_235, %get3A_230, %dot_general3A_236 {dimension_numbers = #tpu.dot_dimension_numbers<[1], [0], [0], [1], [0, 0, 1, 1], [], []>, transpose_lhs_hint = false} : vector<256x768xf32>, vector<768x12xf32>, vector<256x12xf32> -> vector<256x12xf32>
    %slice3A_238 = vector.extract_strided_slice %get3A_1 {offsets = [0, 896], sizes = [256, 64], strides = [1, 1]} : vector<256x1664xf32> to vector<256x64xf32>
    %slice3A_239 = vector.extract_strided_slice %get3A_1 {offsets = [0, 960], sizes = [256, 704], strides = [1, 1]} : vector<256x1664xf32> to vector<256x704xf32>
    %get3A_240 = arith.constant 0 : index
    %get3A_241 = arith.constant 16576 : index
    %get3A_242 = vector.load %arg2[%get3A_240, %get3A_241] : memref<64x20800xf32, #tpu.memory_space<vmem>>, vector<64x704xf32>
    %dot_general3A_243 = arith.constant dense<0.000000e+00> : vector<256x704xf32>
    %dot_general3A_244 = tpu.matmul %slice3A_238, %get3A_242, %dot_general3A_243 {dimension_numbers = #tpu.dot_dimension_numbers<[1], [0], [0], [1], [0, 0, 1, 1], [], []>, transpose_lhs_hint = false} : vector<256x64xf32>, vector<64x704xf32>, vector<256x704xf32> -> vector<256x704xf32>
    %get3A_245 = arith.constant 0 : index
    %get3A_246 = arith.constant 0 : index
    %get3A_247 = vector.load %arg3[%get3A_245, %get3A_246] : memref<1600x25xf32, #tpu.memory_space<vmem>>, vector<704x11xf32>
    %concatenate3A_248 = tpu.concatenate %slice3A_238, %slice3A_238, %slice3A_238, %slice3A_238, %slice3A_238, %slice3A_238, %slice3A_238, %slice3A_238, %slice3A_238, %slice3A_238, %slice3A_238 in 1 : vector<256x64xf32>, vector<256x64xf32>, vector<256x64xf32>, vector<256x64xf32>, vector<256x64xf32>, vector<256x64xf32>, vector<256x64xf32>, vector<256x64xf32>, vector<256x64xf32>, vector<256x64xf32>, vector<256x64xf32> -> vector<256x704xf32>
    %mul3A_249 = arith.mulf %concatenate3A_248, %slice3A_239 : vector<256x704xf32>
    %dot_general3A_250 = arith.constant dense<0.000000e+00> : vector<256x11xf32>
    %dot_general3A_251 = tpu.matmul %mul3A_249, %get3A_247, %dot_general3A_250 {dimension_numbers = #tpu.dot_dimension_numbers<[1], [0], [0], [1], [0, 0, 1, 1], [], []>, transpose_lhs_hint = false} : vector<256x704xf32>, vector<704x11xf32>, vector<256x11xf32> -> vector<256x11xf32>
    %mul3A_252 = arith.mulf %dot_general3A_244, %slice3A_239 : vector<256x704xf32>
    %dot_general3A_253 = arith.constant dense<0.000000e+00> : vector<256x11xf32>
    %dot_general3A_254 = tpu.matmul %mul3A_252, %get3A_247, %dot_general3A_253 {dimension_numbers = #tpu.dot_dimension_numbers<[1], [0], [0], [1], [0, 0, 1, 1], [], []>, transpose_lhs_hint = false} : vector<256x704xf32>, vector<704x11xf32>, vector<256x11xf32> -> vector<256x11xf32>
    %slice3A_255 = vector.extract_strided_slice %get3A_1 {offsets = [0, 960], sizes = [256, 64], strides = [1, 1]} : vector<256x1664xf32> to vector<256x64xf32>
    %slice3A_256 = vector.extract_strided_slice %get3A_1 {offsets = [0, 1024], sizes = [256, 640], strides = [1, 1]} : vector<256x1664xf32> to vector<256x640xf32>
    %get3A_257 = arith.constant 0 : index
    %get3A_258 = arith.constant 17280 : index
    %get3A_259 = vector.load %arg2[%get3A_257, %get3A_258] : memref<64x20800xf32, #tpu.memory_space<vmem>>, vector<64x640xf32>
    %dot_general3A_260 = arith.constant dense<0.000000e+00> : vector<256x640xf32>
    %dot_general3A_261 = tpu.matmul %slice3A_255, %get3A_259, %dot_general3A_260 {dimension_numbers = #tpu.dot_dimension_numbers<[1], [0], [0], [1], [0, 0, 1, 1], [], []>, transpose_lhs_hint = false} : vector<256x64xf32>, vector<64x640xf32>, vector<256x640xf32> -> vector<256x640xf32>
    %get3A_262 = arith.constant 0 : index
    %get3A_263 = arith.constant 0 : index
    %get3A_264 = vector.load %arg3[%get3A_262, %get3A_263] : memref<1600x25xf32, #tpu.memory_space<vmem>>, vector<640x10xf32>
    %concatenate3A_265 = tpu.concatenate %slice3A_255, %slice3A_255, %slice3A_255, %slice3A_255, %slice3A_255, %slice3A_255, %slice3A_255, %slice3A_255, %slice3A_255, %slice3A_255 in 1 : vector<256x64xf32>, vector<256x64xf32>, vector<256x64xf32>, vector<256x64xf32>, vector<256x64xf32>, vector<256x64xf32>, vector<256x64xf32>, vector<256x64xf32>, vector<256x64xf32>, vector<256x64xf32> -> vector<256x640xf32>
    %mul3A_266 = arith.mulf %concatenate3A_265, %slice3A_256 : vector<256x640xf32>
    %dot_general3A_267 = arith.constant dense<0.000000e+00> : vector<256x10xf32>
    %dot_general3A_268 = tpu.matmul %mul3A_266, %get3A_264, %dot_general3A_267 {dimension_numbers = #tpu.dot_dimension_numbers<[1], [0], [0], [1], [0, 0, 1, 1], [], []>, transpose_lhs_hint = false} : vector<256x640xf32>, vector<640x10xf32>, vector<256x10xf32> -> vector<256x10xf32>
    %mul3A_269 = arith.mulf %dot_general3A_261, %slice3A_256 : vector<256x640xf32>
    %dot_general3A_270 = arith.constant dense<0.000000e+00> : vector<256x10xf32>
    %dot_general3A_271 = tpu.matmul %mul3A_269, %get3A_264, %dot_general3A_270 {dimension_numbers = #tpu.dot_dimension_numbers<[1], [0], [0], [1], [0, 0, 1, 1], [], []>, transpose_lhs_hint = false} : vector<256x640xf32>, vector<640x10xf32>, vector<256x10xf32> -> vector<256x10xf32>
    %slice3A_272 = vector.extract_strided_slice %get3A_1 {offsets = [0, 1024], sizes = [256, 64], strides = [1, 1]} : vector<256x1664xf32> to vector<256x64xf32>
    %slice3A_273 = vector.extract_strided_slice %get3A_1 {offsets = [0, 1088], sizes = [256, 576], strides = [1, 1]} : vector<256x1664xf32> to vector<256x576xf32>
    %get3A_274 = arith.constant 0 : index
    %get3A_275 = arith.constant 17920 : index
    %get3A_276 = vector.load %arg2[%get3A_274, %get3A_275] : memref<64x20800xf32, #tpu.memory_space<vmem>>, vector<64x576xf32>
    %dot_general3A_277 = arith.constant dense<0.000000e+00> : vector<256x576xf32>
    %dot_general3A_278 = tpu.matmul %slice3A_272, %get3A_276, %dot_general3A_277 {dimension_numbers = #tpu.dot_dimension_numbers<[1], [0], [0], [1], [0, 0, 1, 1], [], []>, transpose_lhs_hint = false} : vector<256x64xf32>, vector<64x576xf32>, vector<256x576xf32> -> vector<256x576xf32>
    %get3A_279 = arith.constant 0 : index
    %get3A_280 = arith.constant 0 : index
    %get3A_281 = vector.load %arg3[%get3A_279, %get3A_280] : memref<1600x25xf32, #tpu.memory_space<vmem>>, vector<576x9xf32>
    %concatenate3A_282 = tpu.concatenate %slice3A_272, %slice3A_272, %slice3A_272, %slice3A_272, %slice3A_272, %slice3A_272, %slice3A_272, %slice3A_272, %slice3A_272 in 1 : vector<256x64xf32>, vector<256x64xf32>, vector<256x64xf32>, vector<256x64xf32>, vector<256x64xf32>, vector<256x64xf32>, vector<256x64xf32>, vector<256x64xf32>, vector<256x64xf32> -> vector<256x576xf32>
    %mul3A_283 = arith.mulf %concatenate3A_282, %slice3A_273 : vector<256x576xf32>
    %dot_general3A_284 = arith.constant dense<0.000000e+00> : vector<256x9xf32>
    %dot_general3A_285 = tpu.matmul %mul3A_283, %get3A_281, %dot_general3A_284 {dimension_numbers = #tpu.dot_dimension_numbers<[1], [0], [0], [1], [0, 0, 1, 1], [], []>, transpose_lhs_hint = false} : vector<256x576xf32>, vector<576x9xf32>, vector<256x9xf32> -> vector<256x9xf32>
    %mul3A_286 = arith.mulf %dot_general3A_278, %slice3A_273 : vector<256x576xf32>
    %dot_general3A_287 = arith.constant dense<0.000000e+00> : vector<256x9xf32>
    %dot_general3A_288 = tpu.matmul %mul3A_286, %get3A_281, %dot_general3A_287 {dimension_numbers = #tpu.dot_dimension_numbers<[1], [0], [0], [1], [0, 0, 1, 1], [], []>, transpose_lhs_hint = false} : vector<256x576xf32>, vector<576x9xf32>, vector<256x9xf32> -> vector<256x9xf32>
    %slice3A_289 = vector.extract_strided_slice %get3A_1 {offsets = [0, 1088], sizes = [256, 64], strides = [1, 1]} : vector<256x1664xf32> to vector<256x64xf32>
    %slice3A_290 = vector.extract_strided_slice %get3A_1 {offsets = [0, 1152], sizes = [256, 512], strides = [1, 1]} : vector<256x1664xf32> to vector<256x512xf32>
    %get3A_291 = arith.constant 0 : index
    %get3A_292 = arith.constant 18496 : index
    %get3A_293 = vector.load %arg2[%get3A_291, %get3A_292] : memref<64x20800xf32, #tpu.memory_space<vmem>>, vector<64x512xf32>
    %dot_general3A_294 = arith.constant dense<0.000000e+00> : vector<256x512xf32>
    %dot_general3A_295 = tpu.matmul %slice3A_289, %get3A_293, %dot_general3A_294 {dimension_numbers = #tpu.dot_dimension_numbers<[1], [0], [0], [1], [0, 0, 1, 1], [], []>, transpose_lhs_hint = false} : vector<256x64xf32>, vector<64x512xf32>, vector<256x512xf32> -> vector<256x512xf32>
    %get3A_296 = arith.constant 0 : index
    %get3A_297 = arith.constant 0 : index
    %get3A_298 = vector.load %arg3[%get3A_296, %get3A_297] : memref<1600x25xf32, #tpu.memory_space<vmem>>, vector<512x8xf32>
    %concatenate3A_299 = tpu.concatenate %slice3A_289, %slice3A_289, %slice3A_289, %slice3A_289, %slice3A_289, %slice3A_289, %slice3A_289, %slice3A_289 in 1 : vector<256x64xf32>, vector<256x64xf32>, vector<256x64xf32>, vector<256x64xf32>, vector<256x64xf32>, vector<256x64xf32>, vector<256x64xf32>, vector<256x64xf32> -> vector<256x512xf32>
    %mul3A_300 = arith.mulf %concatenate3A_299, %slice3A_290 : vector<256x512xf32>
    %dot_general3A_301 = arith.constant dense<0.000000e+00> : vector<256x8xf32>
    %dot_general3A_302 = tpu.matmul %mul3A_300, %get3A_298, %dot_general3A_301 {dimension_numbers = #tpu.dot_dimension_numbers<[1], [0], [0], [1], [0, 0, 1, 1], [], []>, transpose_lhs_hint = false} : vector<256x512xf32>, vector<512x8xf32>, vector<256x8xf32> -> vector<256x8xf32>
    %mul3A_303 = arith.mulf %dot_general3A_295, %slice3A_290 : vector<256x512xf32>
    %dot_general3A_304 = arith.constant dense<0.000000e+00> : vector<256x8xf32>
    %dot_general3A_305 = tpu.matmul %mul3A_303, %get3A_298, %dot_general3A_304 {dimension_numbers = #tpu.dot_dimension_numbers<[1], [0], [0], [1], [0, 0, 1, 1], [], []>, transpose_lhs_hint = false} : vector<256x512xf32>, vector<512x8xf32>, vector<256x8xf32> -> vector<256x8xf32>
    %slice3A_306 = vector.extract_strided_slice %get3A_1 {offsets = [0, 1152], sizes = [256, 64], strides = [1, 1]} : vector<256x1664xf32> to vector<256x64xf32>
    %slice3A_307 = vector.extract_strided_slice %get3A_1 {offsets = [0, 1216], sizes = [256, 448], strides = [1, 1]} : vector<256x1664xf32> to vector<256x448xf32>
    %get3A_308 = arith.constant 0 : index
    %get3A_309 = arith.constant 19008 : index
    %get3A_310 = vector.load %arg2[%get3A_308, %get3A_309] : memref<64x20800xf32, #tpu.memory_space<vmem>>, vector<64x448xf32>
    %dot_general3A_311 = arith.constant dense<0.000000e+00> : vector<256x448xf32>
    %dot_general3A_312 = tpu.matmul %slice3A_306, %get3A_310, %dot_general3A_311 {dimension_numbers = #tpu.dot_dimension_numbers<[1], [0], [0], [1], [0, 0, 1, 1], [], []>, transpose_lhs_hint = false} : vector<256x64xf32>, vector<64x448xf32>, vector<256x448xf32> -> vector<256x448xf32>
    %get3A_313 = arith.constant 0 : index
    %get3A_314 = arith.constant 0 : index
    %get3A_315 = vector.load %arg3[%get3A_313, %get3A_314] : memref<1600x25xf32, #tpu.memory_space<vmem>>, vector<448x7xf32>
    %concatenate3A_316 = tpu.concatenate %slice3A_306, %slice3A_306, %slice3A_306, %slice3A_306, %slice3A_306, %slice3A_306, %slice3A_306 in 1 : vector<256x64xf32>, vector<256x64xf32>, vector<256x64xf32>, vector<256x64xf32>, vector<256x64xf32>, vector<256x64xf32>, vector<256x64xf32> -> vector<256x448xf32>
    %mul3A_317 = arith.mulf %concatenate3A_316, %slice3A_307 : vector<256x448xf32>
    %dot_general3A_318 = arith.constant dense<0.000000e+00> : vector<256x7xf32>
    %dot_general3A_319 = tpu.matmul %mul3A_317, %get3A_315, %dot_general3A_318 {dimension_numbers = #tpu.dot_dimension_numbers<[1], [0], [0], [1], [0, 0, 1, 1], [], []>, transpose_lhs_hint = false} : vector<256x448xf32>, vector<448x7xf32>, vector<256x7xf32> -> vector<256x7xf32>
    %mul3A_320 = arith.mulf %dot_general3A_312, %slice3A_307 : vector<256x448xf32>
    %dot_general3A_321 = arith.constant dense<0.000000e+00> : vector<256x7xf32>
    %dot_general3A_322 = tpu.matmul %mul3A_320, %get3A_315, %dot_general3A_321 {dimension_numbers = #tpu.dot_dimension_numbers<[1], [0], [0], [1], [0, 0, 1, 1], [], []>, transpose_lhs_hint = false} : vector<256x448xf32>, vector<448x7xf32>, vector<256x7xf32> -> vector<256x7xf32>
    %slice3A_323 = vector.extract_strided_slice %get3A_1 {offsets = [0, 1216], sizes = [256, 64], strides = [1, 1]} : vector<256x1664xf32> to vector<256x64xf32>
    %slice3A_324 = vector.extract_strided_slice %get3A_1 {offsets = [0, 1280], sizes = [256, 384], strides = [1, 1]} : vector<256x1664xf32> to vector<256x384xf32>
    %get3A_325 = arith.constant 0 : index
    %get3A_326 = arith.constant 19456 : index
    %get3A_327 = vector.load %arg2[%get3A_325, %get3A_326] : memref<64x20800xf32, #tpu.memory_space<vmem>>, vector<64x384xf32>
    %dot_general3A_328 = arith.constant dense<0.000000e+00> : vector<256x384xf32>
    %dot_general3A_329 = tpu.matmul %slice3A_323, %get3A_327, %dot_general3A_328 {dimension_numbers = #tpu.dot_dimension_numbers<[1], [0], [0], [1], [0, 0, 1, 1], [], []>, transpose_lhs_hint = false} : vector<256x64xf32>, vector<64x384xf32>, vector<256x384xf32> -> vector<256x384xf32>
    %get3A_330 = arith.constant 0 : index
    %get3A_331 = arith.constant 0 : index
    %get3A_332 = vector.load %arg3[%get3A_330, %get3A_331] : memref<1600x25xf32, #tpu.memory_space<vmem>>, vector<384x6xf32>
    %concatenate3A_333 = tpu.concatenate %slice3A_323, %slice3A_323, %slice3A_323, %slice3A_323, %slice3A_323, %slice3A_323 in 1 : vector<256x64xf32>, vector<256x64xf32>, vector<256x64xf32>, vector<256x64xf32>, vector<256x64xf32>, vector<256x64xf32> -> vector<256x384xf32>
    %mul3A_334 = arith.mulf %concatenate3A_333, %slice3A_324 : vector<256x384xf32>
    %dot_general3A_335 = arith.constant dense<0.000000e+00> : vector<256x6xf32>
    %dot_general3A_336 = tpu.matmul %mul3A_334, %get3A_332, %dot_general3A_335 {dimension_numbers = #tpu.dot_dimension_numbers<[1], [0], [0], [1], [0, 0, 1, 1], [], []>, transpose_lhs_hint = false} : vector<256x384xf32>, vector<384x6xf32>, vector<256x6xf32> -> vector<256x6xf32>
    %mul3A_337 = arith.mulf %dot_general3A_329, %slice3A_324 : vector<256x384xf32>
    %dot_general3A_338 = arith.constant dense<0.000000e+00> : vector<256x6xf32>
    %dot_general3A_339 = tpu.matmul %mul3A_337, %get3A_332, %dot_general3A_338 {dimension_numbers = #tpu.dot_dimension_numbers<[1], [0], [0], [1], [0, 0, 1, 1], [], []>, transpose_lhs_hint = false} : vector<256x384xf32>, vector<384x6xf32>, vector<256x6xf32> -> vector<256x6xf32>
    %slice3A_340 = vector.extract_strided_slice %get3A_1 {offsets = [0, 1280], sizes = [256, 64], strides = [1, 1]} : vector<256x1664xf32> to vector<256x64xf32>
    %slice3A_341 = vector.extract_strided_slice %get3A_1 {offsets = [0, 1344], sizes = [256, 320], strides = [1, 1]} : vector<256x1664xf32> to vector<256x320xf32>
    %get3A_342 = arith.constant 0 : index
    %get3A_343 = arith.constant 19840 : index
    %get3A_344 = vector.load %arg2[%get3A_342, %get3A_343] : memref<64x20800xf32, #tpu.memory_space<vmem>>, vector<64x320xf32>
    %dot_general3A_345 = arith.constant dense<0.000000e+00> : vector<256x320xf32>
    %dot_general3A_346 = tpu.matmul %slice3A_340, %get3A_344, %dot_general3A_345 {dimension_numbers = #tpu.dot_dimension_numbers<[1], [0], [0], [1], [0, 0, 1, 1], [], []>, transpose_lhs_hint = false} : vector<256x64xf32>, vector<64x320xf32>, vector<256x320xf32> -> vector<256x320xf32>
    %get3A_347 = arith.constant 0 : index
    %get3A_348 = arith.constant 0 : index
    %get3A_349 = vector.load %arg3[%get3A_347, %get3A_348] : memref<1600x25xf32, #tpu.memory_space<vmem>>, vector<320x5xf32>
    %concatenate3A_350 = tpu.concatenate %slice3A_340, %slice3A_340, %slice3A_340, %slice3A_340, %slice3A_340 in 1 : vector<256x64xf32>, vector<256x64xf32>, vector<256x64xf32>, vector<256x64xf32>, vector<256x64xf32> -> vector<256x320xf32>
    %mul3A_351 = arith.mulf %concatenate3A_350, %slice3A_341 : vector<256x320xf32>
    %dot_general3A_352 = arith.constant dense<0.000000e+00> : vector<256x5xf32>
    %dot_general3A_353 = tpu.matmul %mul3A_351, %get3A_349, %dot_general3A_352 {dimension_numbers = #tpu.dot_dimension_numbers<[1], [0], [0], [1], [0, 0, 1, 1], [], []>, transpose_lhs_hint = false} : vector<256x320xf32>, vector<320x5xf32>, vector<256x5xf32> -> vector<256x5xf32>
    %mul3A_354 = arith.mulf %dot_general3A_346, %slice3A_341 : vector<256x320xf32>
    %dot_general3A_355 = arith.constant dense<0.000000e+00> : vector<256x5xf32>
    %dot_general3A_356 = tpu.matmul %mul3A_354, %get3A_349, %dot_general3A_355 {dimension_numbers = #tpu.dot_dimension_numbers<[1], [0], [0], [1], [0, 0, 1, 1], [], []>, transpose_lhs_hint = false} : vector<256x320xf32>, vector<320x5xf32>, vector<256x5xf32> -> vector<256x5xf32>
    %slice3A_357 = vector.extract_strided_slice %get3A_1 {offsets = [0, 1344], sizes = [256, 64], strides = [1, 1]} : vector<256x1664xf32> to vector<256x64xf32>
    %slice3A_358 = vector.extract_strided_slice %get3A_1 {offsets = [0, 1408], sizes = [256, 256], strides = [1, 1]} : vector<256x1664xf32> to vector<256x256xf32>
    %get3A_359 = arith.constant 0 : index
    %get3A_360 = arith.constant 20160 : index
    %get3A_361 = vector.load %arg2[%get3A_359, %get3A_360] : memref<64x20800xf32, #tpu.memory_space<vmem>>, vector<64x256xf32>
    %dot_general3A_362 = arith.constant dense<0.000000e+00> : vector<256x256xf32>
    %dot_general3A_363 = tpu.matmul %slice3A_357, %get3A_361, %dot_general3A_362 {dimension_numbers = #tpu.dot_dimension_numbers<[1], [0], [0], [1], [0, 0, 1, 1], [], []>, transpose_lhs_hint = false} : vector<256x64xf32>, vector<64x256xf32>, vector<256x256xf32> -> vector<256x256xf32>
    %get3A_364 = arith.constant 0 : index
    %get3A_365 = arith.constant 0 : index
    %get3A_366 = vector.load %arg3[%get3A_364, %get3A_365] : memref<1600x25xf32, #tpu.memory_space<vmem>>, vector<256x4xf32>
    %concatenate3A_367 = tpu.concatenate %slice3A_357, %slice3A_357, %slice3A_357, %slice3A_357 in 1 : vector<256x64xf32>, vector<256x64xf32>, vector<256x64xf32>, vector<256x64xf32> -> vector<256x256xf32>
    %mul3A_368 = arith.mulf %concatenate3A_367, %slice3A_358 : vector<256x256xf32>
    %dot_general3A_369 = arith.constant dense<0.000000e+00> : vector<256x4xf32>
    %dot_general3A_370 = tpu.matmul %mul3A_368, %get3A_366, %dot_general3A_369 {dimension_numbers = #tpu.dot_dimension_numbers<[1], [0], [0], [1], [0, 0, 1, 1], [], []>, transpose_lhs_hint = false} : vector<256x256xf32>, vector<256x4xf32>, vector<256x4xf32> -> vector<256x4xf32>
    %mul3A_371 = arith.mulf %dot_general3A_363, %slice3A_358 : vector<256x256xf32>
    %dot_general3A_372 = arith.constant dense<0.000000e+00> : vector<256x4xf32>
    %dot_general3A_373 = tpu.matmul %mul3A_371, %get3A_366, %dot_general3A_372 {dimension_numbers = #tpu.dot_dimension_numbers<[1], [0], [0], [1], [0, 0, 1, 1], [], []>, transpose_lhs_hint = false} : vector<256x256xf32>, vector<256x4xf32>, vector<256x4xf32> -> vector<256x4xf32>
    %slice3A_374 = vector.extract_strided_slice %get3A_1 {offsets = [0, 1408], sizes = [256, 64], strides = [1, 1]} : vector<256x1664xf32> to vector<256x64xf32>
    %slice3A_375 = vector.extract_strided_slice %get3A_1 {offsets = [0, 1472], sizes = [256, 192], strides = [1, 1]} : vector<256x1664xf32> to vector<256x192xf32>
    %get3A_376 = arith.constant 0 : index
    %get3A_377 = arith.constant 20416 : index
    %get3A_378 = vector.load %arg2[%get3A_376, %get3A_377] : memref<64x20800xf32, #tpu.memory_space<vmem>>, vector<64x192xf32>
    %dot_general3A_379 = arith.constant dense<0.000000e+00> : vector<256x192xf32>
    %dot_general3A_380 = tpu.matmul %slice3A_374, %get3A_378, %dot_general3A_379 {dimension_numbers = #tpu.dot_dimension_numbers<[1], [0], [0], [1], [0, 0, 1, 1], [], []>, transpose_lhs_hint = false} : vector<256x64xf32>, vector<64x192xf32>, vector<256x192xf32> -> vector<256x192xf32>
    %get3A_381 = arith.constant 0 : index
    %get3A_382 = arith.constant 0 : index
    %get3A_383 = vector.load %arg3[%get3A_381, %get3A_382] : memref<1600x25xf32, #tpu.memory_space<vmem>>, vector<192x3xf32>
    %concatenate3A_384 = tpu.concatenate %slice3A_374, %slice3A_374, %slice3A_374 in 1 : vector<256x64xf32>, vector<256x64xf32>, vector<256x64xf32> -> vector<256x192xf32>
    %mul3A_385 = arith.mulf %concatenate3A_384, %slice3A_375 : vector<256x192xf32>
    %dot_general3A_386 = arith.constant dense<0.000000e+00> : vector<256x3xf32>
    %dot_general3A_387 = tpu.matmul %mul3A_385, %get3A_383, %dot_general3A_386 {dimension_numbers = #tpu.dot_dimension_numbers<[1], [0], [0], [1], [0, 0, 1, 1], [], []>, transpose_lhs_hint = false} : vector<256x192xf32>, vector<192x3xf32>, vector<256x3xf32> -> vector<256x3xf32>
    %mul3A_388 = arith.mulf %dot_general3A_380, %slice3A_375 : vector<256x192xf32>
    %dot_general3A_389 = arith.constant dense<0.000000e+00> : vector<256x3xf32>
    %dot_general3A_390 = tpu.matmul %mul3A_388, %get3A_383, %dot_general3A_389 {dimension_numbers = #tpu.dot_dimension_numbers<[1], [0], [0], [1], [0, 0, 1, 1], [], []>, transpose_lhs_hint = false} : vector<256x192xf32>, vector<192x3xf32>, vector<256x3xf32> -> vector<256x3xf32>
    %slice3A_391 = vector.extract_strided_slice %get3A_1 {offsets = [0, 1472], sizes = [256, 64], strides = [1, 1]} : vector<256x1664xf32> to vector<256x64xf32>
    %slice3A_392 = vector.extract_strided_slice %get3A_1 {offsets = [0, 1536], sizes = [256, 128], strides = [1, 1]} : vector<256x1664xf32> to vector<256x128xf32>
    %get3A_393 = arith.constant 0 : index
    %get3A_394 = arith.constant 20608 : index
    %get3A_395 = vector.load %arg2[%get3A_393, %get3A_394] : memref<64x20800xf32, #tpu.memory_space<vmem>>, vector<64x128xf32>
    %dot_general3A_396 = arith.constant dense<0.000000e+00> : vector<256x128xf32>
    %dot_general3A_397 = tpu.matmul %slice3A_391, %get3A_395, %dot_general3A_396 {dimension_numbers = #tpu.dot_dimension_numbers<[1], [0], [0], [1], [0, 0, 1, 1], [], []>, transpose_lhs_hint = false} : vector<256x64xf32>, vector<64x128xf32>, vector<256x128xf32> -> vector<256x128xf32>
    %get3A_398 = arith.constant 0 : index
    %get3A_399 = arith.constant 0 : index
    %get3A_400 = vector.load %arg3[%get3A_398, %get3A_399] : memref<1600x25xf32, #tpu.memory_space<vmem>>, vector<128x2xf32>
    %concatenate3A_401 = tpu.concatenate %slice3A_391, %slice3A_391 in 1 : vector<256x64xf32>, vector<256x64xf32> -> vector<256x128xf32>
    %mul3A_402 = arith.mulf %concatenate3A_401, %slice3A_392 : vector<256x128xf32>
    %dot_general3A_403 = arith.constant dense<0.000000e+00> : vector<256x2xf32>
    %dot_general3A_404 = tpu.matmul %mul3A_402, %get3A_400, %dot_general3A_403 {dimension_numbers = #tpu.dot_dimension_numbers<[1], [0], [0], [1], [0, 0, 1, 1], [], []>, transpose_lhs_hint = false} : vector<256x128xf32>, vector<128x2xf32>, vector<256x2xf32> -> vector<256x2xf32>
    %mul3A_405 = arith.mulf %dot_general3A_397, %slice3A_392 : vector<256x128xf32>
    %dot_general3A_406 = arith.constant dense<0.000000e+00> : vector<256x2xf32>
    %dot_general3A_407 = tpu.matmul %mul3A_405, %get3A_400, %dot_general3A_406 {dimension_numbers = #tpu.dot_dimension_numbers<[1], [0], [0], [1], [0, 0, 1, 1], [], []>, transpose_lhs_hint = false} : vector<256x128xf32>, vector<128x2xf32>, vector<256x2xf32> -> vector<256x2xf32>
    %slice3A_408 = vector.extract_strided_slice %get3A_1 {offsets = [0, 1536], sizes = [256, 64], strides = [1, 1]} : vector<256x1664xf32> to vector<256x64xf32>
    %slice3A_409 = vector.extract_strided_slice %get3A_1 {offsets = [0, 1600], sizes = [256, 64], strides = [1, 1]} : vector<256x1664xf32> to vector<256x64xf32>
    %get3A_410 = arith.constant 0 : index
    %get3A_411 = arith.constant 20736 : index
    %get3A_412 = vector.load %arg2[%get3A_410, %get3A_411] : memref<64x20800xf32, #tpu.memory_space<vmem>>, vector<64x64xf32>
    %dot_general3A_413 = arith.constant dense<0.000000e+00> : vector<256x64xf32>
    %dot_general3A_414 = tpu.matmul %slice3A_408, %get3A_412, %dot_general3A_413 {dimension_numbers = #tpu.dot_dimension_numbers<[1], [0], [0], [1], [0, 0, 1, 1], [], []>, transpose_lhs_hint = false} : vector<256x64xf32>, vector<64x64xf32>, vector<256x64xf32> -> vector<256x64xf32>
    %get3A_415 = arith.constant 0 : index
    %get3A_416 = arith.constant 0 : index
    %get3A_417 = vector.load %arg3[%get3A_415, %get3A_416] : memref<1600x25xf32, #tpu.memory_space<vmem>>, vector<64x1xf32>
    %mul3A_418 = arith.mulf %slice3A_408, %slice3A_409 : vector<256x64xf32>
    %dot_general3A_419 = arith.constant dense<0.000000e+00> : vector<256x1xf32>
    %dot_general3A_420 = tpu.matmul %mul3A_418, %get3A_417, %dot_general3A_419 {dimension_numbers = #tpu.dot_dimension_numbers<[1], [0], [0], [1], [0, 0, 1, 1], [], []>, transpose_lhs_hint = false} : vector<256x64xf32>, vector<64x1xf32>, vector<256x1xf32> -> vector<256x1xf32>
    %mul3A_421 = arith.mulf %dot_general3A_414, %slice3A_409 : vector<256x64xf32>
    %dot_general3A_422 = arith.constant dense<0.000000e+00> : vector<256x1xf32>
    %dot_general3A_423 = tpu.matmul %mul3A_421, %get3A_417, %dot_general3A_422 {dimension_numbers = #tpu.dot_dimension_numbers<[1], [0], [0], [1], [0, 0, 1, 1], [], []>, transpose_lhs_hint = false} : vector<256x64xf32>, vector<64x1xf32>, vector<256x1xf32> -> vector<256x1xf32>
    %concatenate3A_424 = tpu.concatenate %dot_general3A_13, %dot_general3A_30, %dot_general3A_47, %dot_general3A_64, %dot_general3A_81, %dot_general3A_98, %dot_general3A_115, %dot_general3A_132, %dot_general3A_149, %dot_general3A_166, %dot_general3A_183, %dot_general3A_200, %dot_general3A_217, %dot_general3A_234, %dot_general3A_251, %dot_general3A_268, %dot_general3A_285, %dot_general3A_302, %dot_general3A_319, %dot_general3A_336, %dot_general3A_353, %dot_general3A_370, %dot_general3A_387, %dot_general3A_404, %dot_general3A_420 in 1 : vector<256x25xf32>, vector<256x24xf32>, vector<256x23xf32>, vector<256x22xf32>, vector<256x21xf32>, vector<256x20xf32>, vector<256x19xf32>, vector<256x18xf32>, vector<256x17xf32>, vector<256x16xf32>, vector<256x15xf32>, vector<256x14xf32>, vector<256x13xf32>, vector<256x12xf32>, vector<256x11xf32>, vector<256x10xf32>, vector<256x9xf32>, vector<256x8xf32>, vector<256x7xf32>, vector<256x6xf32>, vector<256x5xf32>, vector<256x4xf32>, vector<256x3xf32>, vector<256x2xf32>, vector<256x1xf32> -> vector<256x325xf32>
    %swap3A_425 = arith.constant 0 : index
    %swap3A_426 = arith.constant 1664 : index
    %swap3A_427 = vector.load %arg4[%swap3A_425, %swap3A_426] : memref<256x2314xf32, #tpu.memory_space<vmem>>, vector<256x325xf32>
    tpu.vector_store %arg4[%swap3A_425, %swap3A_426], %concatenate3A_424 {strides = array<i32>} : memref<256x2314xf32, #tpu.memory_space<vmem>>, vector<256x325xf32>,
    %concatenate3A_428 = tpu.concatenate %dot_general3A_16, %dot_general3A_33, %dot_general3A_50, %dot_general3A_67, %dot_general3A_84, %dot_general3A_101, %dot_general3A_118, %dot_general3A_135, %dot_general3A_152, %dot_general3A_169, %dot_general3A_186, %dot_general3A_203, %dot_general3A_220, %dot_general3A_237, %dot_general3A_254, %dot_general3A_271, %dot_general3A_288, %dot_general3A_305, %dot_general3A_322, %dot_general3A_339, %dot_general3A_356, %dot_general3A_373, %dot_general3A_390, %dot_general3A_407, %dot_general3A_423 in 1 : vector<256x25xf32>, vector<256x24xf32>, vector<256x23xf32>, vector<256x22xf32>, vector<256x21xf32>, vector<256x20xf32>, vector<256x19xf32>, vector<256x18xf32>, vector<256x17xf32>, vector<256x16xf32>, vector<256x15xf32>, vector<256x14xf32>, vector<256x13xf32>, vector<256x12xf32>, vector<256x11xf32>, vector<256x10xf32>, vector<256x9xf32>, vector<256x8xf32>, vector<256x7xf32>, vector<256x6xf32>, vector<256x5xf32>, vector<256x4xf32>, vector<256x3xf32>, vector<256x2xf32>, vector<256x1xf32> -> vector<256x325xf32>
    %swap3A_429 = arith.constant 0 : index
    %swap3A_430 = arith.constant 1989 : index
    %swap3A_431 = vector.load %arg4[%swap3A_429, %swap3A_430] : memref<256x2314xf32, #tpu.memory_space<vmem>>, vector<256x325xf32>
    tpu.vector_store %arg4[%swap3A_429, %swap3A_430], %concatenate3A_428 {strides = array<i32>} : memref<256x2314xf32, #tpu.memory_space<vmem>>, vector<256x325xf32>,
    return
  }
  func.func @transform_0(%arg0: i32) -> (i32, i32) {
    %c0_i32 = arith.constant 0 : i32
    %c0_i32_0 = arith.constant 0 : i32
    return %arg0, %c0_i32 : i32, i32
  }
  func.func @transform_1(%arg0: i32) -> (i32, i32) {
    %c0_i32 = arith.constant 0 : i32
    %c0_i32_0 = arith.constant 0 : i32
    %c0_i32_1 = arith.constant 0 : i32
    return %c0_i32, %c0_i32_0 : i32, i32
  }
  func.func @transform_2(%arg0: i32) -> (i32, i32) {
    %c0_i32 = arith.constant 0 : i32
    %c0_i32_0 = arith.constant 0 : i32
    %c0_i32_1 = arith.constant 0 : i32
    return %c0_i32, %c0_i32_0 : i32, i32
  }
  func.func @transform_3(%arg0: i32) -> (i32, i32) {
    %c0_i32 = arith.constant 0 : i32
    %c0_i32_0 = arith.constant 0 : i32
    return %arg0, %c0_i32 : i32, i32
  }
}

</mosaic_0001>

<sc_bundles>
// kernel: kernel.4.cloned.1.call-start
scs
__scs_entry_jumppad:
0x0: {  	(pc) =	sbr.rel $0x88, $3  }
0x1: {  	(tag) =	ssettag $0x0;
	lr =	simm.s32 $0x1  }
0x2: {  	[smem:$0x3F9E] =	sst lr;
	_ =	strace $0xD0000000  }
0x3: {  	_ = 	snop  }
0x4: {  	_ = 	snop  }
0x5: {  	_ = 	snop  }
0x6: {  	_ = 	snop  }
0x7: {  	_ = 	snop  }
__scs_overlays_trampoline_lowered:
0x8: {  	[smem:$0x3FAD] =	sst s0  }
0x9: {  	[smem:$0x3FAE] =	sst s1  }
0xa: {  	[smem:$0x3FAF] =	sst s2  }
0xb: {  	[smem:$0x3FB0] =	sst s3  }
0xc: {  	[smem:$0x3FB1] =	sst s4  }
0xd: {  	[smem:$0x3FB2] =	sst s5  }
0xe: {  	[smem:$0x3FB3] =	sst s6  }
0xf: {  	[smem:$0x3FB4] =	sst s7  }
0x10: {  	[smem:$0x3FB5] =	sst s8  }
0x11: {  	[smem:$0x3FB6] =	sst s9;
	s0 =	simm.s32 @!p0 $0x0  }
0x12: {  	s1 =	sld [smem:$0x3F9C];
	s0 =	simm.s32 @p0 $0x1  }
0x13: {  	[smem:$0x3FB7] =	sst s0;
	s0 =	simm.s32 @!p1 $0x0  }
0x14: {  	s2 =	sld [smem:$0x3F9B];
	s0 =	simm.s32 @p1 $0x1  }
0x15: {  	[smem:$0x3FB8] =	sst s0;
	s0 =	simm.s32 @!p2 $0x0  }
0x16: {  	s3 =	sld [smem:$0x3FDB];
	s0 =	simm.s32 @p2 $0x1  }
0x17: {  	s4 =	simm.s32 $0x1BF5;
	[smem:$0x3FBA] =	sst s0  }
0x18: {  	s0 =	sld [smem:$0x3F9D];
	_ =	swait.ge [sflag:s4], $0x0  }
0x19: {  	s7 =	sld [smem:$0x3F9E]  }
0x1a: {  	s8 =	sadd.s32 $0xFFFFE003, lr  }
0x1b: {  	s9 =	sadd.s32 $0xFFFFFEF7, lr;
	s5 =	simm.s32 $0xFFFFFFFF;
	p2 =	slt.u32 s8, $0xFFFFF086  }
0x1c: {  	p1 =	slt.u32 s9, $0xF7A;
	s5 =	simm.s32 @!p2 $0x0  }
0x1d: {  	s5 =	simm.s32 @p1 $0x1;
	p0 =	seq.s32 s7, s2  }
0x1e: {  	s7 =	smul.u32 @!p0 $0xF7A, s2;
	p2 =	seq.s32 @!p0 s5, $0x0  }
0x1f: {  	s9 =	smul.u32 $0xF7A, s1;
	s8 =	simm.s32 @!p0 $0x1BF5;
	p2 =	por !p2, p0  }
0x20: {  	[sflag:s8] =	ssyncset.s32 @!p0 $0xFFFFF086;
	s6 =	sadd.s32 @!p0 s3, s7;
	s7 =	simm.s32 @!p0 $0x108  }
0x21: {  	s3 =	sadd.s32 s3, s9;
	s6 =	sadd.s32 @!p0 $0x88, s6;
	s7 =	simm.s32 @p2 $0x1082  }
0x22: {  	[simem:s7], [sflag:s8] =	dma.local @!p0 [hbm:s6], $0xF7A  }
0x23: {  	s9 =	sor.u32 $0xD0000000, s2;
	s6 =	simm.s32 $0x108;
	_ =	swait.ge @!p0 [sflag:s8], $0x0  }
0x24: {  	s3 =	sadd.s32 $0x88, s3;
	s6 =	simm.s32 @!p1 $0x1082;
	[sflag:s4] =	ssyncset.s32 $0xFFFFF086  }
0x25: {  	[simem:s6], [sflag:s4] =	dma.local [hbm:s3], $0xF7A  }
0x26: {  	[smem:$0x3F9E] =	sst s1;
	(tag) =	ssettag s2;
	_ =	strace s9  }
0x27: {  	s1 =	sld [smem:$0x3FAE]  }
0x28: {  	s2 =	sld [smem:$0x3FAF]  }
0x29: {  	s4 =	sld [smem:$0x3FB1]  }
0x2a: {  	p0 =	seq.s32 s5, $0x0;
	s5 =	sld [smem:$0x3FB2]  }
0x2b: {  	s6 =	sld [smem:$0x3FB3]  }
0x2c: {  	s7 =	sld [smem:$0x3FB4]  }
0x2d: {  	s3 =	simm.s32 $0x108;
	s8 =	sld [smem:$0x3FB5]  }
0x2e: {  	s3 =	simm.s32 @!p0 $0x1082;
	s9 =	sld [smem:$0x3FB6]  }
0x2f: {  	lr =	sadd.s32 s0, s3;
	s0 =	sld [smem:$0x3FAD]  }
0x30: {  	s3 =	sld [smem:$0x3FB0]  }
0x31: {  	[smem:$0x3FB9] =	sst s10  }
0x32: {  	s10 =	sld [smem:$0x3FB7];
	_ =	sdelay $0x3  }
0x33: {  	p0 =	seq.s32 s10, $0x1;
	s10 =	sld [smem:$0x3FB9];
	_ =	sdelay $0x3  }
0x34: {  	[smem:$0x3FB9] =	sst s10  }
0x35: {  	s10 =	sld [smem:$0x3FB8];
	_ =	sdelay $0x3  }
0x36: {  	p1 =	seq.s32 s10, $0x1;
	s10 =	sld [smem:$0x3FB9];
	_ =	sdelay $0x3  }
0x37: {  	[smem:$0x3FB9] =	sst s10  }
0x38: {  	s10 =	sld [smem:$0x3FBA]  }
0x39: {  	_ = 	snop;
	(pc) =	sbr.ind lr, $3  }
0x3a: {  	_ = 	snop  }
0x3b: {  	_ = 	snop  }
0x3c: {  	p2 =	seq.s32 s10, $0x1;
	s10 =	sld [smem:$0x3FB9]  }
0x3d: {  	_ =	shalt  }
0x3e: {  	_ =	shalt  }
0x3f: {  	_ =	shalt  }
0x40: {  	_ =	shalt  }
0x41: {  	_ =	shalt  }
0x42: {  	_ =	shalt  }
0x43: {  	_ =	shalt  }
0x44: {  	_ =	shalt  }
0x45: {  	_ =	shalt  }
0x46: {  	_ =	shalt  }
0x47: {  	_ =	shalt  }
0x48: {  	_ =	shalt  }
0x49: {  	_ =	shalt  }
0x4a: {  	_ =	shalt  }
0x4b: {  	_ =	shalt  }
0x4c: {  	_ =	shalt  }
0x4d: {  	_ =	shalt  }
0x4e: {  	_ =	shalt  }
0x4f: {  	_ =	shalt  }
0x50: {  	_ =	shalt  }
0x51: {  	_ =	shalt  }
0x52: {  	_ =	shalt  }
0x53: {  	_ =	shalt  }
0x54: {  	_ =	shalt  }
0x55: {  	_ =	shalt  }
0x56: {  	_ =	shalt  }
0x57: {  	_ =	shalt  }
0x58: {  	_ =	shalt  }
0x59: {  	_ =	shalt  }
0x5a: {  	_ =	shalt  }
0x5b: {  	_ =	shalt  }
0x5c: {  	_ =	shalt  }
0x5d: {  	_ =	shalt  }
0x5e: {  	_ =	shalt  }
0x5f: {  	_ =	shalt  }
0x60: {  	_ =	shalt  }
0x61: {  	_ =	shalt  }
0x62: {  	_ =	shalt  }
0x63: {  	_ =	shalt  }
0x64: {  	_ =	shalt  }
0x65: {  	_ =	shalt  }
0x66: {  	_ =	shalt  }
0x67: {  	_ =	shalt  }
0x68: {  	_ =	shalt  }
0x69: {  	_ =	shalt  }
0x6a: {  	_ =	shalt  }
0x6b: {  	_ =	shalt  }
0x6c: {  	_ =	shalt  }
0x6d: {  	_ =	shalt  }
0x6e: {  	_ =	shalt  }
0x6f: {  	_ =	shalt  }
0x70: {  	_ =	shalt  }
0x71: {  	_ =	shalt  }
0x72: {  	_ =	shalt  }
0x73: {  	_ =	shalt  }
0x74: {  	_ =	shalt  }
0x75: {  	_ =	shalt  }
0x76: {  	_ =	shalt  }
0x77: {  	_ =	shalt  }
0x78: {  	_ =	shalt  }
0x79: {  	_ =	shalt  }
0x7a: {  	_ =	shalt  }
0x7b: {  	_ =	shalt  }
0x7c: {  	_ =	shalt  }
0x7d: {  	_ =	shalt  }
0x7e: {  	_ =	shalt  }
0x7f: {  	_ =	shalt  }
0x80: {  	_ =	shalt  }
0x81: {  	_ =	shalt  }
0x82: {  	_ =	shalt  }
0x83: {  	_ =	shalt  }
0x84: {  	_ =	shalt  }
0x85: {  	_ =	shalt  }
0x86: {  	_ =	shalt  }
0x87: {  	_ =	shalt  }
.Lfunc_end0:
.L_simem_size_0:
called_computation_lowered:
.L_overlay_start_0:
0x88: {  	s2 =	sld [smem:$0x3FD9]  }
0x89: {  	s3 =	sld [smem:$0x3FFE];
	_ =	sdelay $0x1  }
0x8a: {  	s1 =	srdreg.scid  }
0x8b: {  	s0 =	sand.u32 $0x1, s1  }
0x8c: {  	s17 =	sshll.u32 s0, $0xA;
	s2 =	sadd.s32 s3, s2  }
0x8d: {  	s2 =	sadd.s32 s2, s17  }
0x8e: {  	[smem:$0x3FC5] =	sst s2  }
0x8f: {  	_ = 	snop  }
0x90: {  	s2 =	sld [smem:$0x3FD0];
	(tm) =	ssettm $0x1  }
0x91: {  	s18 =	sld [smem:$0x3FFB];
	_ =	sdelay $0x3  }
0x92: {  	_ =	strace s18  }
0x93: {  	s3 =	sld [smem:$0x3FFC];
	_ =	sdelay $0x3  }
0x94: {  	_ =	strace s3  }
0x95: {  	s3 =	sld [smem:$0x3FFD];
	_ =	sdelay $0x3  }
0x96: {  	_ =	strace s3  }
0x97: {  	_ =	strace $0x8FFFFFFF  }
0x98: {  	s19 =	sld [smem:$0x3FDB];
	_ =	sdelay $0x1  }
0x99: {  	s4 =	simm.s32 $_scs_section_size  }
0x9a: {  	s5 =	simm.s32 $_size__tile_overlayer_lowered;
	s6 =	simm.s32 $_tile_overlayer_lowered  }
0x9b: {  	s22 =	simm.s32 $0x1BFF;
	s21 =	sshll.u32 s6, $0x1;
	s3 =	sadd.s32 s4, s19  }
0x9c: {  	s7 =	simm.s32 $0x0;
	s20 =	sshll.u32 s5, $0x1;
	s5 =	sadd.s32 s21, s3  }
0x9d: {  	[timem:s7], [sflag:s22] =	dma.local [hbm:s5], s20  }
0x9e: {  	_ =	swait.ge [sflag:s22], s20  }
0x9f: {  	s4 =	ssub.s32 $0x0, s20;
	[sflag:s22] =	ssyncset.done $0x0  }
0xa0: {  	[sflag:s22] =	ssyncadd.s32 s4;
	_ =	sdelay $0x1  }
0xa1: {  	s23 =	simm.s32 $0x1B8B  }
0xa2: {  	_ =	swait.ge [sflag:s23], $0x1  }
0xa3: {  	[sflag:s23] =	ssyncset.done $0x0  }
0xa4: {  	s25 =	simm.s32 $0x1B8E;
	s24 =	sld [smem:$0x3FFE];
	[sflag:s23] =	ssyncadd.s32 $0xFFFFFFFF  }
0xa5: {  	s26 =	simm.s32 $execute0_lowered;
	[smem:$0x3FD2] =	sst s25  }
0xa6: {  	s5 =	sshll.u32 s26, $0x1;
	_ =	strace $0x80000046;
	[dreg:$0x1] =	wrdreg $0xFFFFFFFF  }
0xa7: {  	s28 =	simm.s32 $_size_execute0_lowered;
	s3 =	sadd.s32 s3, s5;
	[dreg:$0x0] =	wrdreg $0x0  }
0xa8: {  	s5 =	sshll.u32 s28, $0x1;
	[dreg:$0x2] =	wrdreg s3  }
0xa9: {  	[dreg:$0x3] =	wrdreg s5  }
0xaa: {  	[dreg:$0x4] =	wrdreg $0xC0  }
0xab: {  	_ =	task [dreg:s7], $0x5FFFF  }
0xac: {  	[dreg:$0x1] =	wrdreg $0xFFFFFFFF  }
0xad: {  	[dreg:$0x0] =	wrdreg $0x60  }
0xae: {  	[dreg:$0x2] =	wrdreg s2  }
0xaf: {  	[dreg:$0x3] =	wrdreg s24  }
0xb0: {  	[dreg:$0x4] =	wrdreg $0x9  }
0xb1: {  	_ =	task.clear_ibuf [dreg:s7], $0x5FFFF;
	_ =	strace $0x90000046  }
0xb2: {  	s29 =	simm.s32 $0x9;
	_ =	strace $0x80000048  }
0xb3: {  	_ =	swait.ge [sflag:s29], $0x1  }
0xb4: {  	[sflag:s29] =	ssyncadd.s32 $0xFFFFFFFF  }
0xb5: {  	_ =	strace $0x90000048  }
0xb6: {  	_ =	sfence  }
0xb7: {  	s30 =	sld [smem:$0x0];
	_ =	sdelay $0x2  }
0xb8: {  	s31 =	sshll.u32 s1, $0xD;
	s1 =	sshrl.u32 s1, $0x2  }
0xb9: {  	s3 =	sand.u32 $0x4000, s31;
	s1 =	sadd.s32 s1, s30  }
0xba: {  	s0 =	sor.u32 s3, s0;
	s1 =	sshll.u32 s1, $0x11  }
0xbb: {  	s0 =	sor.u32 s1, s0  }
0xbc: {  	s0 =	sadd.s32 $0x8F2B, s0  }
0xbd: {  	[sflag:s0] =	ssyncadd.remote.s32 $0x1  }
0xbe: {  	_ =	sfence.sel $0xFFFF  }
0xbf: {  	[dreg:$0x0] =	wrdreg $0xFFFFFFFF;
	(pc) =	sbr.abs _section_cstart, $3  }
0xc0: {  	[dreg:$0x1] =	wrdreg $0xFFFFFFFF  }
0xc1: {  	_ =	task.clear_ibuf [dreg:s7], $0x2FFFF;
	_ =	strace $0x9FFFFFFF  }
0xc2: {  	(tm) =	ssettm $0x7FFFFFFF  }
0xc3: {  	_ =	shalt  }
tec
execute0_lowered:
.L_overlay_start_1:
0x0: {  	(tag) =	ssettag $0x1  }
0x1: {  	s4 =	rddreg [dreg:$0x0]  }
0x2: {  	s5 =	rddreg [dreg:$0x1]  }
0x3: {  	s0 =	rddreg [dreg:$0x2]  }
0x4: {  	s1 =	stileid.u32;
	s3 =	srdreg.scid  }
0x5: {  	s2 =	simm.s32 $0x0;
	s11 =	simm.s32 $0x0;
	s6 =	sand.u32 $0x1, s3  }
0x6: {  	s29 =	sshll.u32 s1, $0x1;
	[smem:$0x7FF] =	sst s2;
	s7 =	smul.u32 $0xD000, s1  }
0x7: {  	s3 =	sor.u32 s6, s29;
	s8 =	ssub.s32 $0x2, s6;
	s6 =	smul.u32 $0x6800, s6  }
0x8: {  	_ =	strace $0x80000047;
	s9 =	smul.u32 $0xD00, s3;
	s10 =	sshrl.u32 s8, $0x1  }
0x9: {  	s3 =	sadd.s32 $0x27ACE00, s5;
	s7 =	sadd.s32 s7, s5;
	s30 =	ssub.s32 s8, s10  }
0xa: {  	s6 =	sadd.s32 s6, s7;
	s7 =	simm.s32 $0x2;
	s8 =	simm.s32 $0x80  }
0xb: {  	s10 =	simm.s32 $0x1;
	s31 =	sshrl.u32 s9, $0x3;
	s5 =	smax.u32 s30, $0x1  }
0xc: {  	s6 =	sadd.s32 $0xA00, s6;
	s9 =	simm.s32 $0xD00;
	s4 =	sadd.s32 s4, s31  }
.LBB2_1:
0xd: {  	[tilespmem:s2], [sflag:$0x2] =	stream.linear.gather [hbm4b:s4+s2], $0xD00, $0x38;
	[tilespmem:$0x2D00] =	vst v63  }
0xe: {  	_ =	swait.ge [sflag:s7], $0xD00  }
0xf: {  	[sflag:s7] =	ssyncset.done $0x0  }
0x10: {  	s12 =	simm.s32 $0x0;
	[sflag:s7] =	ssyncadd.s32 $0xFFFFF300  }
0x11: {  	[tilespmem:s9], [sflag:$0x1] =	stream.indirect.gather [hbm4b:s3+s8], $0x40, s12, s8, $0xb8;
	[tilespmem:$0x2D00] =	vst v63  }
0x12: {  	_ =	swait.ge [sflag:s10], $0x2000  }
0x13: {  	[sflag:s10] =	ssyncset.done $0x0  }
0x14: {  	[sflag:s10] =	ssyncadd.s32 $0xFFFFE000  }
0x15: {  	[hbm4b:s6+s2] =	stream.linear.scatter [tilespmem:s9], [sflag:$0x2], $0x2000, $0x38;
	[tilespmem:$0x2D00] =	vst v63  }
0x16: {  	s13 =	simm.s32 $0x200;
	_ =	swait.ge [sflag:s7], $0x2000  }
0x17: {  	s14 =	simm.s32 $0x400;
	s12 =	sadd.s32 $0x400, s6;
	[sflag:s7] =	ssyncset.done $0x0  }
.LBB2_2:
0x18: {  	s15 =	sshra.s32 s13, $0x2  }
0x19: {  	[sflag:s7] =	ssyncadd.s32 $0xFFFFE000;
	s13 =	smov.u32 s14;
	s16 =	sadd.s32 $0x200, s14  }
0x1a: {  	[tilespmem:s9], [sflag:$0x1] =	stream.indirect.gather [hbm4b:s3+s8], $0x40, s15, s8, $0xb8;
	[tilespmem:$0x2D00] =	vst v63  }
0x1b: {  	p0 =	sne.s32 s14, $0x3200;
	_ =	swait.ge [sflag:s10], $0x2000  }
.Ltmp0:
0x1c: {  	[sflag:s10] =	ssyncset.done $0x0;
	(pc) =	sbr.rel @p0 .LBB2_2-.Ltmp0, $4  }
0x1d: {  	[sflag:s10] =	ssyncadd.s32 $0xFFFFE000  }
0x1e: {  	[hbm4b:s12+s2] =	stream.linear.scatter [tilespmem:s9], [sflag:$0x2], $0x2000, $0x38;
	[tilespmem:$0x2D00] =	vst v63  }
0x1f: {  	_ =	swait.ge [sflag:s7], $0x2000  }
0x20: {  	s14 =	smov.u32 s16;
	s12 =	sadd.s32 $0x400, s12;
	[sflag:s7] =	ssyncset.done $0x0  }
0x21: {  	s13 =	sshra.s32 s13, $0x2;
	[sflag:s7] =	ssyncadd.s32 $0xFFFFE000  }
0x22: {  	[tilespmem:s9], [sflag:$0x1] =	stream.indirect.gather [hbm4b:s3+s8], $0x40, s13, s8, $0xb8;
	[tilespmem:$0x2D00] =	vst v63  }
0x23: {  	s11 =	sadd.s32 $0x1, s11;
	_ =	swait.ge [sflag:s10], $0x2000  }
0x24: {  	p0 =	sne.s32 s11, s5;
	[sflag:s10] =	ssyncset.done $0x0  }
.Ltmp1:
0x25: {  	[sflag:s10] =	ssyncadd.s32 $0xFFFFE000;
	(pc) =	sbr.rel @p0 .LBB2_1-.Ltmp1, $4  }
0x26: {  	[hbm4b:s12+s2] =	stream.linear.scatter [tilespmem:s9], [sflag:$0x2], $0x2000, $0x38;
	[tilespmem:$0x2D00] =	vst v63  }
0x27: {  	_ =	swait.ge [sflag:s7], $0x2000  }
0x28: {  	[sflag:s7] =	ssyncset.done $0x0  }
0x29: {  	[sflag:s7] =	ssyncadd.s32 $0xFFFFE000  }
0x2a: {  	_ =	sfence.sel $0x180000  }
0x2b: {  	[bflag:$0x0] =	sbarrier.arrive $0xFFFF  }
0x2c: {  	p0 =	sne.s32 s1, $0x0;
	_ =	strace $0x90000047  }
0x2d: {  	s0 =	sadd.s32 @!p0 $0x100000, s0;
	[bflag:$0x2] =	sbarrier.arrive $0xFFFF  }
0x2e: {  	[sflag:s0] =	ssyncadd.tile.s32 @!p0 $0x1;
	_ =	shalt  }
.Lfunc_end2:
_tile_overlayer_lowered:
.L_overlay_start_2:
0x2f: {  	(tag) =	ssettag $0x2  }
0x30: {  	s0 =	rddreg [dreg:$0x0];
	s2 =	stileid.u32  }
0x31: {  	s1 =	rddreg [dreg:$0x1];
	p0 =	sne.s32 s2, $0x0  }
0x32: {  	s3 =	rddreg [dreg:$0x2];
	[bflag:$0x3] =	sbarrier.arrive $0xFFFF;
	s2 =	simm.s32 @!p0 $0x1C02  }
0x33: {  	[timem:s3], [sflag:s2] =	dma.local @!p0 [hbm:s0], s1  }
0x34: {  	s0 =	simm.s32 @!p0 $0x2  }
0x35: {  	_ =	swait.ge @!p0 [sflag:s0], s1  }
0x36: {  	s1 =	ssub.s32 @!p0 $0x0, s1;
	[sflag:s0] =	ssyncset.done @!p0 $0x0  }
0x37: {  	[sflag:s0] =	ssyncadd.s32 @!p0 s1  }
0x38: {  	[bflag:$0x3] =	sbarrier.arrive $0xFFFF  }
0x39: {  	_ =	shalt  }

</sc_bundles>
